<compile_context>
chip_gen: v7x
topology: tpu7x:2x2x1
jax: 0.10.2.dev20260603
libtpu: 0.0.44.dev20260713+nightly
codegen_flags: <defaults>
</compile_context>

<pallas_src>
import functools

import jax
import jax.numpy as jnp
from jax import lax
from jax.experimental import pallas as pl
from jax.experimental.pallas import tpu as pltpu
from jax.experimental.pallas import tpu_sc as plsc

_B, _C, _H, _W = 8, 16, 256, 128
_N = 1024
_NUMEL = _B * _C * _H * _W
_CBLK = 4
_NACC = 4
_NW = _CBLK * _W
_TOK = _B * _C * _W
_NWORK = 32
_CHUNK = 128


def _dist_kernel(z_ref, w_ref, idx_ref, loss_ref, hwsq_ref, zcat_ref):
    i = pl.program_id(0)

    @pl.when(i == 0)
    def _():
        w0 = w_ref[...]
        hwsq_ref[...] = 0.5 * jnp.sum(w0 * w0, axis=1, keepdims=True)
        loss_ref[...] = jnp.zeros_like(loss_ref)

    w = w_ref[...]
    for c in range(_CBLK):
        zcat_ref[:, c * _W:(c + 1) * _W] = z_ref[0, c]
    zcat = zcat_ref[...]
    m = jax.lax.dot_general(
        w, zcat, (((1,), (0,)), ((), ())),
        preferred_element_type=jnp.float32,
        precision=jax.lax.Precision.DEFAULT)
    neg = jnp.float32(-3.0e38)
    runmax = [jnp.full((8, _NW), neg, jnp.float32) for _ in range(_NACC)]
    runtile = [jnp.zeros((8, _NW), jnp.float32) for _ in range(_NACC)]
    for t in range(_N // 8):
        k = t % _NACC
        st = m[8 * t:8 * t + 8, :] - hwsq_ref[8 * t:8 * t + 8, :]
        gt = st > runmax[k]
        runtile[k] = jnp.where(gt, jnp.float32(t), runtile[k])
        runmax[k] = jnp.maximum(st, runmax[k])
    sub_i = jax.lax.broadcasted_iota(
        jnp.int32, (8, _NW), 0).astype(jnp.float32)
    vals = jnp.concatenate(runmax, axis=0)
    nidx = jnp.concatenate(
        [rt * 8.0 + sub_i for rt in runtile], axis=0)
    smax = jnp.max(vals, axis=0)
    idxf = jnp.min(
        jnp.where(vals == smax[None, :], nidx, jnp.float32(2 * _N)),
        axis=0)
    idx = idxf.astype(jnp.int32)
    for c in range(_CBLK):
        idx_ref[c, 0] = idx[c * _W:(c + 1) * _W]
    zsq = jnp.sum(zcat * zcat, axis=0)
    part = zsq - 2.0 * smax
    acc = part[0:_W]
    for c in range(1, _CBLK):
        acc = acc + part[c * _W:(c + 1) * _W]
    loss_ref[0:1, :] += acc[None, :]

    @pl.when(i == _B * _C // _CBLK - 1)
    def _():
        total = jnp.sum(loss_ref[...]) * (1.25 / _NUMEL)
        loss_ref[...] = jnp.full((8, 128), total, jnp.float32)


def _xpose_kernel(rows_ref, zq_ref):
    zq_ref[0, 0] = rows_ref[0, 0].T


def _sc_gather(W, idx_flat):
    mesh = plsc.VectorSubcoreMesh(core_axis_name="c", subcore_axis_name="s")
    per_w = _TOK // _NWORK

    @functools.partial(
        pl.kernel, mesh=mesh,
        out_type=jax.ShapeDtypeStruct((_TOK, _H), jnp.float32),
        scratch_types=[
            pltpu.VMEM((_CHUNK,), jnp.int32),
            pltpu.VMEM((_CHUNK, _H), jnp.float32),
            pltpu.SemaphoreType.DMA,
        ],
    )
    def k(table_hbm, idx_hbm, out_hbm, idx_v, rows_v, sem):
        wid = lax.axis_index("s") * 2 + lax.axis_index("c")

        @pl.loop(0, per_w // _CHUNK)
        def _(j):
            base = wid * per_w + j * _CHUNK
            pltpu.sync_copy(idx_hbm.at[pl.ds(base, _CHUNK)], idx_v)
            pltpu.async_copy(table_hbm.at[idx_v], rows_v, sem).wait()
            pltpu.sync_copy(rows_v, out_hbm.at[pl.ds(base, _CHUNK)])

    return k(W, idx_flat)


def kernel(z, W):
    b, c, h, w = z.shape
    nblk = (b * c) // _CBLK
    cpb = c // _CBLK
    idx3, loss_arr = pl.pallas_call(
        _dist_kernel,
        grid=(nblk,),
        in_specs=[
            pl.BlockSpec((1, _CBLK, h, w), lambda i: (i // cpb, i % cpb, 0, 0)),
            pl.BlockSpec((_N, h), lambda i: (0, 0)),
        ],
        out_specs=[
            pl.BlockSpec((_CBLK, 1, w), lambda i: (i, 0, 0)),
            pl.BlockSpec((8, 128), lambda i: (0, 0)),
        ],
        out_shape=[
            jax.ShapeDtypeStruct((b * c, 1, w), jnp.int32),
            jax.ShapeDtypeStruct((8, 128), jnp.float32),
        ],
        scratch_shapes=[
            pltpu.VMEM((_N, 1), jnp.float32),
            pltpu.VMEM((h, _NW), jnp.float32),
        ],
    )(z, W)
    rows = _sc_gather(W, idx3.reshape(_TOK))
    zq = pl.pallas_call(
        _xpose_kernel,
        grid=(b * c,),
        in_specs=[
            pl.BlockSpec((1, 1, w, h), lambda i: (i // c, i % c, 0, 0)),
        ],
        out_specs=pl.BlockSpec((1, 1, h, w), lambda i: (i // c, i % c, 0, 0)),
        out_shape=jax.ShapeDtypeStruct((b, c, h, w), jnp.float32),
    )(rows.reshape(b, c, w, h))
    return zq, loss_arr[0, 0], idx3.reshape(b, c, w)

# --- scband reference (transcript-rebuilt; emitter-appended) ---
"""Pipeline reference for scband-frame-quantizer-1906965479579 (READ-ONLY COPY).

The authoritative reference and input builder live on the scoring server;
editing this copy changes nothing except your own understanding.
"""

import jax, jax.numpy as jnp
import numpy as np


def setup_inputs(seed: int = 0) -> dict:
    key = jax.random.key(seed)
    k1, k2 = jax.random.split(key)
    z = jax.random.normal(k1, (8, 16, 256, 128), dtype=jnp.float32)
    W = jax.random.uniform(k2, (1024, 256), dtype=jnp.float32)
    return {"z": z, "W": W}


def reference(z, W):
    b, c, h, w = z.shape
    # permute(0, 3, 1, 2) then reshape(b, w, c, h)
    zt = jnp.transpose(z, (0, 3, 1, 2)).reshape(b, w, c, h)
    z_flat = zt.reshape(-1, h)
    d = (jnp.sum(z_flat ** 2, axis=1, keepdims=True)
         + jnp.sum(W ** 2, axis=1)
         - 2.0 * jnp.einsum('bd,dn->bn', z_flat, W.T))
    min_encoding_indices = jnp.argmin(d, axis=1)
    z_q = jnp.take(W, min_encoding_indices, axis=0).reshape(zt.shape)
    loss = (jnp.mean((z_q - jax.lax.stop_gradient(zt)) ** 2)
            + 0.25 * jnp.mean((jax.lax.stop_gradient(z_q) - zt) ** 2))
    # reshape(b, w, c, h) then permute(0, 2, 3, 1) -> (b, c, h, w)
    z_q_out = jnp.transpose(z_q.reshape(b, w, c, h), (0, 2, 3, 1))
    idx_out = jnp.transpose(min_encoding_indices.reshape(b, w, c), (0, 2, 1))
    return (z_q_out, loss, idx_out)

if __name__ == "__main__":
    import jax
    _d = setup_inputs()
    print(jax.jit(kernel)(*tuple(_d.values())))

</pallas_src>

<mosaic_0001>
#map = affine_map<(d0, d1) -> (0, 0)>
#map1 = affine_map<(d0, d1) -> (0)>
module attributes {stable_mosaic.version = 14 : i64} {
  func.func @k(%arg0: i32, %arg1: i32, %arg2: memref<1024x256xf32, #tpu.memory_space<hbm>>, %arg3: memref<16384xi32, #tpu.memory_space<hbm>>, %arg4: memref<16384x256xf32, #tpu.memory_space<hbm>>, %arg5: memref<128xi32, #tpu.memory_space<vmem>>, %arg6: memref<128x256xf32, #tpu.memory_space<vmem>>, %arg7: memref<!tpu.dma_semaphore, #tpu.memory_space<semaphore_mem>>) attributes {dimension_semantics = [#tpu.dimension_semantics<core_parallel>, #tpu.dimension_semantics<subcore_parallel>], iteration_bounds = array<i64: 2, 16>, scalar_prefetch = 0 : i64, scratch_operands = 3 : i64, tpu.core_type = #tpu.core_type<sc_vector_subcore>, window_params = [{transform_indices = #map}, {transform_indices = #map1}, {transform_indices = #map}]} {
    %mul3A = arith.constant 2 : i32
    %mul3A_0 = arith.muli %arg1, %mul3A : i32
    %add3A = arith.addi %mul3A_0, %arg0 : i32
    %scan3A = arith.constant 0 : i32
    %scan3A_1 = arith.constant 4 : i32
    %scan3A_2 = arith.addi %scan3A, %scan3A_1 : i32
    %scan3A_3 = arith.constant 1 : i32
    scf.for %scan3A_5 = %scan3A to %scan3A_2 step %scan3A_3  : i32 {
      %mul3A_6 = arith.constant 1 : i32
      %mul3A_7 = arith.muli %scan3A_5, %mul3A_6 : i32
      %add3A_8 = arith.constant 0 : i32
      %add3A_9 = arith.addi %add3A_8, %mul3A_7 : i32
      %mul3A_10 = arith.constant 512 : i32
      %mul3A_11 = arith.muli %add3A, %mul3A_10 : i32
      %mul3A_12 = arith.constant 128 : i32
      %mul3A_13 = arith.muli %add3A_9, %mul3A_12 : i32
      %add3A_14 = arith.addi %mul3A_11, %mul3A_13 : i32
      "tpu.region"() ({
        %run_scoped3A = tpu.sem_alloc : memref<!tpu.dma_semaphore, #tpu.memory_space<semaphore_mem>>
        %dma_start3A_19 = tpu.memref_slice %arg3[%add3A_14] : memref<16384xi32, #tpu.memory_space<hbm>> -> memref<128xi32, #tpu.memory_space<hbm>>
        %dma_start3A_20 = tpu.memref_slice %arg3[%add3A_14] : memref<16384xi32, #tpu.memory_space<hbm>> -> memref<128xi32, #tpu.memory_space<hbm>>
        tpu.enqueue_dma source(%dma_start3A_20 : memref<128xi32, #tpu.memory_space<hbm>>) target(%arg5 : memref<128xi32, #tpu.memory_space<vmem>>) target_semaphore(%run_scoped3A : memref<!tpu.dma_semaphore, #tpu.memory_space<semaphore_mem>>)
        %dma_wait3A_21 = tpu.memref_slice %arg3[%add3A_14] : memref<16384xi32, #tpu.memory_space<hbm>> -> memref<128xi32, #tpu.memory_space<hbm>>
        %dma_wait3A_22 = tpu.memref_slice %arg3[%add3A_14] : memref<16384xi32, #tpu.memory_space<hbm>> -> memref<128xi32, #tpu.memory_space<hbm>>
        tpu.wait_dma2 semaphore(%run_scoped3A : memref<!tpu.dma_semaphore, #tpu.memory_space<semaphore_mem>>) src(%dma_wait3A_22 : memref<128xi32, #tpu.memory_space<hbm>>) dst(%arg5 : memref<128xi32, #tpu.memory_space<vmem>>)
        tpu.yield
      }) : () -> ()
      %dma_start3A = arith.constant 0 : i32
      %dma_start3A_15 = arith.constant 0 : i32
      %dma_start3A_16 = tpu.memref_slice %arg2[%dma_start3A, %dma_start3A_15] : memref<1024x256xf32, #tpu.memory_space<hbm>> -> memref<1024x256xf32, #tpu.memory_space<hbm>>
      tpu.enqueue_indirect_dma source(%dma_start3A_16 : memref<1024x256xf32, #tpu.memory_space<hbm>>) target(%arg6 : memref<128x256xf32, #tpu.memory_space<vmem>>) offsets(%arg5 : memref<128xi32, #tpu.memory_space<vmem>>) semaphore(%arg7 : memref<!tpu.dma_semaphore, #tpu.memory_space<semaphore_mem>>)
      %dma_wait3A = arith.constant 0 : i32
      %dma_wait3A_17 = arith.constant 0 : i32
      %dma_wait3A_18 = tpu.memref_slice %arg2[%dma_wait3A, %dma_wait3A_17] : memref<1024x256xf32, #tpu.memory_space<hbm>> -> memref<1024x256xf32, #tpu.memory_space<hbm>>
      tpu.wait_indirect_dma semaphore(%arg7 : memref<!tpu.dma_semaphore, #tpu.memory_space<semaphore_mem>>) src(%dma_wait3A_18 : memref<1024x256xf32, #tpu.memory_space<hbm>>) dst(%arg6 : memref<128x256xf32, #tpu.memory_space<vmem>>)
      "tpu.region"() ({
        %run_scoped3A = tpu.sem_alloc : memref<!tpu.dma_semaphore, #tpu.memory_space<semaphore_mem>>
        %dma_start3A_19 = arith.constant 0 : i32
        %dma_start3A_20 = tpu.memref_slice %arg4[%add3A_14, %dma_start3A_19] : memref<16384x256xf32, #tpu.memory_space<hbm>> -> memref<128x256xf32, #tpu.memory_space<hbm>>
        %dma_start3A_21 = arith.constant 0 : i32
        %dma_start3A_22 = tpu.memref_slice %arg4[%add3A_14, %dma_start3A_21] : memref<16384x256xf32, #tpu.memory_space<hbm>> -> memref<128x256xf32, #tpu.memory_space<hbm>>
        tpu.enqueue_dma source(%arg6 : memref<128x256xf32, #tpu.memory_space<vmem>>) target(%dma_start3A_22 : memref<128x256xf32, #tpu.memory_space<hbm>>) target_semaphore(%run_scoped3A : memref<!tpu.dma_semaphore, #tpu.memory_space<semaphore_mem>>)
        %dma_wait3A_23 = arith.constant 0 : i32
        %dma_wait3A_24 = tpu.memref_slice %arg4[%add3A_14, %dma_wait3A_23] : memref<16384x256xf32, #tpu.memory_space<hbm>> -> memref<128x256xf32, #tpu.memory_space<hbm>>
        %dma_wait3A_25 = arith.constant 0 : i32
        %dma_wait3A_26 = tpu.memref_slice %arg4[%add3A_14, %dma_wait3A_25] : memref<16384x256xf32, #tpu.memory_space<hbm>> -> memref<128x256xf32, #tpu.memory_space<hbm>>
        tpu.wait_dma2 semaphore(%run_scoped3A : memref<!tpu.dma_semaphore, #tpu.memory_space<semaphore_mem>>) src(%arg6 : memref<128x256xf32, #tpu.memory_space<vmem>>) dst(%dma_wait3A_26 : memref<128x256xf32, #tpu.memory_space<hbm>>)
        tpu.yield
      }) : () -> ()
    }
    %scan3A_4 = arith.constant 4 : i32
    return
  }
}

module attributes {stable_mosaic.version = 14 : i64} {
  func.func @_dist_kernel(%arg0: i32, %arg1: memref<1x4x256x128xf32, #tpu.memory_space<vmem>>, %arg2: memref<1024x256xf32, #tpu.memory_space<vmem>>, %arg3: memref<4x1x128xi32, #tpu.memory_space<vmem>>, %arg4: memref<8x128xf32, #tpu.memory_space<vmem>>, %arg5: memref<1024x1xf32, #tpu.memory_space<vmem>>, %arg6: memref<256x512xf32, #tpu.memory_space<vmem>>) attributes {dimension_semantics = [#tpu.dimension_semantics<arbitrary>], iteration_bounds = array<i64: 32>, scalar_prefetch = 0 : i64, scratch_operands = 2 : i64, tpu.core_type = #tpu.core_type<tc>, window_params = [{transform_indices = @transform_0, window_bounds = array<i64: 1, 4, 256, 128>}, {pipeline_mode = #tpu.pipeline_mode<synchronous>, transform_indices = @transform_1, window_bounds = array<i64: 1024, 256>}, {transform_indices = @transform_2, window_bounds = array<i64: 4, 1, 128>}, {pipeline_mode = #tpu.pipeline_mode<synchronous>, transform_indices = @transform_3, window_bounds = array<i64: 8, 128>}]} {
    %eq3A = arith.constant 0 : i32
    %eq3A_0 = arith.cmpi eq, %arg0, %eq3A : i32
    %convert_element_type3A = arith.extui %eq3A_0 : i1 to i32
    %cond3A = arith.constant 0 : i32
    %cond3A_1 = arith.cmpi ne, %convert_element_type3A, %cond3A : i32
    scf.if %cond3A_1 {
      %get3A_1539 = arith.constant 0 : index
      %get3A_1540 = arith.constant 0 : index
      %get3A_1541 = vector.load %arg2[%get3A_1539, %get3A_1540] : memref<1024x256xf32, #tpu.memory_space<vmem>>, vector<1024x256xf32>
      %mul3A_1542 = arith.mulf %get3A_1541, %get3A_1541 : vector<1024x256xf32>
      %reduce_sum3A_1543 = arith.constant dense<0.000000e+00> : vector<1024xf32>
      %reduce_sum3A_1544 = vector.multi_reduction <add>, %mul3A_1542, %reduce_sum3A_1543 [1] : vector<1024x256xf32> to vector<1024xf32>
      %broadcast_in_dim3A_1545 = vector.shape_cast %reduce_sum3A_1544 : vector<1024xf32> to vector<1024x1xf32>
      %mul3A_1546 = arith.constant 5.000000e-01 : f32
      %mul3A_1547 = vector.broadcast %mul3A_1546 : f32 to vector<1024x1xf32>
      %mul3A_1548 = arith.mulf %mul3A_1547, %broadcast_in_dim3A_1545 : vector<1024x1xf32>
      %swap3A_1549 = arith.constant 0 : index
      %swap3A_1550 = arith.constant 0 : index
      %swap3A_1551 = vector.load %arg5[%swap3A_1549, %swap3A_1550] : memref<1024x1xf32, #tpu.memory_space<vmem>>, vector<1024x1xf32>
      tpu.vector_store %arg5[%swap3A_1549, %swap3A_1550], %mul3A_1548 {strides = array<i32>} : memref<1024x1xf32, #tpu.memory_space<vmem>>, vector<1024x1xf32>,
      %broadcast_in_dim3A_1552 = arith.constant 0.000000e+00 : f32
      %broadcast_in_dim3A_1553 = vector.broadcast %broadcast_in_dim3A_1552 : f32 to vector<8x128xf32>
      %swap3A_1554 = arith.constant 0 : index
      %swap3A_1555 = arith.constant 0 : index
      %swap3A_1556 = vector.load %arg4[%swap3A_1554, %swap3A_1555] : memref<8x128xf32, #tpu.memory_space<vmem>>, vector<8x128xf32>
      tpu.vector_store %arg4[%swap3A_1554, %swap3A_1555], %broadcast_in_dim3A_1553 {strides = array<i32>} : memref<8x128xf32, #tpu.memory_space<vmem>>, vector<8x128xf32>,
    } else {
    }
    %get3A = arith.constant 0 : index
    %get3A_2 = arith.constant 0 : index
    %get3A_3 = vector.load %arg2[%get3A, %get3A_2] : memref<1024x256xf32, #tpu.memory_space<vmem>>, vector<1024x256xf32>
    %get3A_4 = arith.constant 0 : index
    %get3A_5 = arith.constant 0 : index
    %get3A_6 = arith.constant 0 : index
    %get3A_7 = arith.constant 0 : index
    %get3A_8 = vector.load %arg1[%get3A_4, %get3A_5, %get3A_6, %get3A_7] : memref<1x4x256x128xf32, #tpu.memory_space<vmem>>, vector<1x1x256x128xf32>
    %get3A_9 = vector.shape_cast %get3A_8 : vector<1x1x256x128xf32> to vector<256x128xf32>
    %swap3A = arith.constant 0 : index
    %swap3A_10 = arith.constant 0 : index
    %swap3A_11 = vector.load %arg6[%swap3A, %swap3A_10] : memref<256x512xf32, #tpu.memory_space<vmem>>, vector<256x128xf32>
    tpu.vector_store %arg6[%swap3A, %swap3A_10], %get3A_9 {strides = array<i32>} : memref<256x512xf32, #tpu.memory_space<vmem>>, vector<256x128xf32>,
    %get3A_12 = arith.constant 0 : index
    %get3A_13 = arith.constant 1 : index
    %get3A_14 = arith.constant 0 : index
    %get3A_15 = arith.constant 0 : index
    %get3A_16 = vector.load %arg1[%get3A_12, %get3A_13, %get3A_14, %get3A_15] : memref<1x4x256x128xf32, #tpu.memory_space<vmem>>, vector<1x1x256x128xf32>
    %get3A_17 = vector.shape_cast %get3A_16 : vector<1x1x256x128xf32> to vector<256x128xf32>
    %swap3A_18 = arith.constant 0 : index
    %swap3A_19 = arith.constant 128 : index
    %swap3A_20 = vector.load %arg6[%swap3A_18, %swap3A_19] : memref<256x512xf32, #tpu.memory_space<vmem>>, vector<256x128xf32>
    tpu.vector_store %arg6[%swap3A_18, %swap3A_19], %get3A_17 {strides = array<i32>} : memref<256x512xf32, #tpu.memory_space<vmem>>, vector<256x128xf32>,
    %get3A_21 = arith.constant 0 : index
    %get3A_22 = arith.constant 2 : index
    %get3A_23 = arith.constant 0 : index
    %get3A_24 = arith.constant 0 : index
    %get3A_25 = vector.load %arg1[%get3A_21, %get3A_22, %get3A_23, %get3A_24] : memref<1x4x256x128xf32, #tpu.memory_space<vmem>>, vector<1x1x256x128xf32>
    %get3A_26 = vector.shape_cast %get3A_25 : vector<1x1x256x128xf32> to vector<256x128xf32>
    %swap3A_27 = arith.constant 0 : index
    %swap3A_28 = arith.constant 256 : index
    %swap3A_29 = vector.load %arg6[%swap3A_27, %swap3A_28] : memref<256x512xf32, #tpu.memory_space<vmem>>, vector<256x128xf32>
    tpu.vector_store %arg6[%swap3A_27, %swap3A_28], %get3A_26 {strides = array<i32>} : memref<256x512xf32, #tpu.memory_space<vmem>>, vector<256x128xf32>,
    %get3A_30 = arith.constant 0 : index
    %get3A_31 = arith.constant 3 : index
    %get3A_32 = arith.constant 0 : index
    %get3A_33 = arith.constant 0 : index
    %get3A_34 = vector.load %arg1[%get3A_30, %get3A_31, %get3A_32, %get3A_33] : memref<1x4x256x128xf32, #tpu.memory_space<vmem>>, vector<1x1x256x128xf32>
    %get3A_35 = vector.shape_cast %get3A_34 : vector<1x1x256x128xf32> to vector<256x128xf32>
    %swap3A_36 = arith.constant 0 : index
    %swap3A_37 = arith.constant 384 : index
    %swap3A_38 = vector.load %arg6[%swap3A_36, %swap3A_37] : memref<256x512xf32, #tpu.memory_space<vmem>>, vector<256x128xf32>
    tpu.vector_store %arg6[%swap3A_36, %swap3A_37], %get3A_35 {strides = array<i32>} : memref<256x512xf32, #tpu.memory_space<vmem>>, vector<256x128xf32>,
    %get3A_39 = arith.constant 0 : index
    %get3A_40 = arith.constant 0 : index
    %get3A_41 = vector.load %arg6[%get3A_39, %get3A_40] : memref<256x512xf32, #tpu.memory_space<vmem>>, vector<256x512xf32>
    %dot_general3A = arith.constant dense<0.000000e+00> : vector<1024x512xf32>
    %dot_general3A_42 = tpu.matmul %get3A_3, %get3A_41, %dot_general3A {dimension_numbers = #tpu.dot_dimension_numbers<[1], [0], [0], [1], [0, 0, 1, 1], [], []>, transpose_lhs_hint = false} : vector<1024x256xf32>, vector<256x512xf32>, vector<1024x512xf32> -> vector<1024x512xf32>
    %broadcast_in_dim3A = arith.constant -3.000000e+38 : f32
    %broadcast_in_dim3A_43 = vector.broadcast %broadcast_in_dim3A : f32 to vector<8x512xf32>
    %broadcast_in_dim3A_44 = arith.constant -3.000000e+38 : f32
    %broadcast_in_dim3A_45 = vector.broadcast %broadcast_in_dim3A_44 : f32 to vector<8x512xf32>
    %broadcast_in_dim3A_46 = arith.constant -3.000000e+38 : f32
    %broadcast_in_dim3A_47 = vector.broadcast %broadcast_in_dim3A_46 : f32 to vector<8x512xf32>
    %broadcast_in_dim3A_48 = arith.constant -3.000000e+38 : f32
    %broadcast_in_dim3A_49 = vector.broadcast %broadcast_in_dim3A_48 : f32 to vector<8x512xf32>
    %broadcast_in_dim3A_50 = arith.constant 0.000000e+00 : f32
    %broadcast_in_dim3A_51 = vector.broadcast %broadcast_in_dim3A_50 : f32 to vector<8x512xf32>
    %broadcast_in_dim3A_52 = arith.constant 0.000000e+00 : f32
    %broadcast_in_dim3A_53 = vector.broadcast %broadcast_in_dim3A_52 : f32 to vector<8x512xf32>
    %broadcast_in_dim3A_54 = arith.constant 0.000000e+00 : f32
    %broadcast_in_dim3A_55 = vector.broadcast %broadcast_in_dim3A_54 : f32 to vector<8x512xf32>
    %broadcast_in_dim3A_56 = arith.constant 0.000000e+00 : f32
    %broadcast_in_dim3A_57 = vector.broadcast %broadcast_in_dim3A_56 : f32 to vector<8x512xf32>
    %slice3A = vector.extract_strided_slice %dot_general3A_42 {offsets = [0, 0], sizes = [8, 512], strides = [1, 1]} : vector<1024x512xf32> to vector<8x512xf32>
    %get3A_58 = arith.constant 0 : index
    %get3A_59 = arith.constant 0 : index
    %get3A_60 = vector.load %arg5[%get3A_58, %get3A_59] : memref<1024x1xf32, #tpu.memory_space<vmem>>, vector<8x1xf32>
    %sub3A = vector.broadcast %get3A_60 : vector<8x1xf32> to vector<8x512xf32>
    %sub3A_61 = arith.subf %slice3A, %sub3A : vector<8x512xf32>
    %gt3A = arith.cmpf ogt, %sub3A_61, %broadcast_in_dim3A_43 : vector<8x512xf32>
    %jit3A = arith.constant 0.000000e+00 : f32
    %broadcast_in_dim3A_62 = vector.broadcast %jit3A : f32 to vector<8x512xf32>
    %select_n3A = arith.select %gt3A, %broadcast_in_dim3A_62, %broadcast_in_dim3A_51 : vector<8x512xi1>, vector<8x512xf32>
    %max3A = arith.maximumf %sub3A_61, %broadcast_in_dim3A_43 : vector<8x512xf32>
    %slice3A_63 = vector.extract_strided_slice %dot_general3A_42 {offsets = [8, 0], sizes = [8, 512], strides = [1, 1]} : vector<1024x512xf32> to vector<8x512xf32>
    %get3A_64 = arith.constant 8 : index
    %get3A_65 = arith.constant 0 : index
    %get3A_66 = vector.load %arg5[%get3A_64, %get3A_65] : memref<1024x1xf32, #tpu.memory_space<vmem>>, vector<8x1xf32>
    %sub3A_67 = vector.broadcast %get3A_66 : vector<8x1xf32> to vector<8x512xf32>
    %sub3A_68 = arith.subf %slice3A_63, %sub3A_67 : vector<8x512xf32>
    %gt3A_69 = arith.cmpf ogt, %sub3A_68, %broadcast_in_dim3A_45 : vector<8x512xf32>
    %jit3A_70 = arith.constant 1.000000e+00 : f32
    %broadcast_in_dim3A_71 = vector.broadcast %jit3A_70 : f32 to vector<8x512xf32>
    %select_n3A_72 = arith.select %gt3A_69, %broadcast_in_dim3A_71, %broadcast_in_dim3A_53 : vector<8x512xi1>, vector<8x512xf32>
    %max3A_73 = arith.maximumf %sub3A_68, %broadcast_in_dim3A_45 : vector<8x512xf32>
    %slice3A_74 = vector.extract_strided_slice %dot_general3A_42 {offsets = [16, 0], sizes = [8, 512], strides = [1, 1]} : vector<1024x512xf32> to vector<8x512xf32>
    %get3A_75 = arith.constant 16 : index
    %get3A_76 = arith.constant 0 : index
    %get3A_77 = vector.load %arg5[%get3A_75, %get3A_76] : memref<1024x1xf32, #tpu.memory_space<vmem>>, vector<8x1xf32>
    %sub3A_78 = vector.broadcast %get3A_77 : vector<8x1xf32> to vector<8x512xf32>
    %sub3A_79 = arith.subf %slice3A_74, %sub3A_78 : vector<8x512xf32>
    %gt3A_80 = arith.cmpf ogt, %sub3A_79, %broadcast_in_dim3A_47 : vector<8x512xf32>
    %jit3A_81 = arith.constant 2.000000e+00 : f32
    %broadcast_in_dim3A_82 = vector.broadcast %jit3A_81 : f32 to vector<8x512xf32>
    %select_n3A_83 = arith.select %gt3A_80, %broadcast_in_dim3A_82, %broadcast_in_dim3A_55 : vector<8x512xi1>, vector<8x512xf32>
    %max3A_84 = arith.maximumf %sub3A_79, %broadcast_in_dim3A_47 : vector<8x512xf32>
    %slice3A_85 = vector.extract_strided_slice %dot_general3A_42 {offsets = [24, 0], sizes = [8, 512], strides = [1, 1]} : vector<1024x512xf32> to vector<8x512xf32>
    %get3A_86 = arith.constant 24 : index
    %get3A_87 = arith.constant 0 : index
    %get3A_88 = vector.load %arg5[%get3A_86, %get3A_87] : memref<1024x1xf32, #tpu.memory_space<vmem>>, vector<8x1xf32>
    %sub3A_89 = vector.broadcast %get3A_88 : vector<8x1xf32> to vector<8x512xf32>
    %sub3A_90 = arith.subf %slice3A_85, %sub3A_89 : vector<8x512xf32>
    %gt3A_91 = arith.cmpf ogt, %sub3A_90, %broadcast_in_dim3A_49 : vector<8x512xf32>
    %jit3A_92 = arith.constant 3.000000e+00 : f32
    %broadcast_in_dim3A_93 = vector.broadcast %jit3A_92 : f32 to vector<8x512xf32>
    %select_n3A_94 = arith.select %gt3A_91, %broadcast_in_dim3A_93, %broadcast_in_dim3A_57 : vector<8x512xi1>, vector<8x512xf32>
    %max3A_95 = arith.maximumf %sub3A_90, %broadcast_in_dim3A_49 : vector<8x512xf32>
    %slice3A_96 = vector.extract_strided_slice %dot_general3A_42 {offsets = [32, 0], sizes = [8, 512], strides = [1, 1]} : vector<1024x512xf32> to vector<8x512xf32>
    %get3A_97 = arith.constant 32 : index
    %get3A_98 = arith.constant 0 : index
    %get3A_99 = vector.load %arg5[%get3A_97, %get3A_98] : memref<1024x1xf32, #tpu.memory_space<vmem>>, vector<8x1xf32>
    %sub3A_100 = vector.broadcast %get3A_99 : vector<8x1xf32> to vector<8x512xf32>
    %sub3A_101 = arith.subf %slice3A_96, %sub3A_100 : vector<8x512xf32>
    %gt3A_102 = arith.cmpf ogt, %sub3A_101, %max3A : vector<8x512xf32>
    %jit3A_103 = arith.constant 4.000000e+00 : f32
    %broadcast_in_dim3A_104 = vector.broadcast %jit3A_103 : f32 to vector<8x512xf32>
    %select_n3A_105 = arith.select %gt3A_102, %broadcast_in_dim3A_104, %select_n3A : vector<8x512xi1>, vector<8x512xf32>
    %max3A_106 = arith.maximumf %sub3A_101, %max3A : vector<8x512xf32>
    %slice3A_107 = vector.extract_strided_slice %dot_general3A_42 {offsets = [40, 0], sizes = [8, 512], strides = [1, 1]} : vector<1024x512xf32> to vector<8x512xf32>
    %get3A_108 = arith.constant 40 : index
    %get3A_109 = arith.constant 0 : index
    %get3A_110 = vector.load %arg5[%get3A_108, %get3A_109] : memref<1024x1xf32, #tpu.memory_space<vmem>>, vector<8x1xf32>
    %sub3A_111 = vector.broadcast %get3A_110 : vector<8x1xf32> to vector<8x512xf32>
    %sub3A_112 = arith.subf %slice3A_107, %sub3A_111 : vector<8x512xf32>
    %gt3A_113 = arith.cmpf ogt, %sub3A_112, %max3A_73 : vector<8x512xf32>
    %jit3A_114 = arith.constant 5.000000e+00 : f32
    %broadcast_in_dim3A_115 = vector.broadcast %jit3A_114 : f32 to vector<8x512xf32>
    %select_n3A_116 = arith.select %gt3A_113, %broadcast_in_dim3A_115, %select_n3A_72 : vector<8x512xi1>, vector<8x512xf32>
    %max3A_117 = arith.maximumf %sub3A_112, %max3A_73 : vector<8x512xf32>
    %slice3A_118 = vector.extract_strided_slice %dot_general3A_42 {offsets = [48, 0], sizes = [8, 512], strides = [1, 1]} : vector<1024x512xf32> to vector<8x512xf32>
    %get3A_119 = arith.constant 48 : index
    %get3A_120 = arith.constant 0 : index
    %get3A_121 = vector.load %arg5[%get3A_119, %get3A_120] : memref<1024x1xf32, #tpu.memory_space<vmem>>, vector<8x1xf32>
    %sub3A_122 = vector.broadcast %get3A_121 : vector<8x1xf32> to vector<8x512xf32>
    %sub3A_123 = arith.subf %slice3A_118, %sub3A_122 : vector<8x512xf32>
    %gt3A_124 = arith.cmpf ogt, %sub3A_123, %max3A_84 : vector<8x512xf32>
    %jit3A_125 = arith.constant 6.000000e+00 : f32
    %broadcast_in_dim3A_126 = vector.broadcast %jit3A_125 : f32 to vector<8x512xf32>
    %select_n3A_127 = arith.select %gt3A_124, %broadcast_in_dim3A_126, %select_n3A_83 : vector<8x512xi1>, vector<8x512xf32>
    %max3A_128 = arith.maximumf %sub3A_123, %max3A_84 : vector<8x512xf32>
    %slice3A_129 = vector.extract_strided_slice %dot_general3A_42 {offsets = [56, 0], sizes = [8, 512], strides = [1, 1]} : vector<1024x512xf32> to vector<8x512xf32>
    %get3A_130 = arith.constant 56 : index
    %get3A_131 = arith.constant 0 : index
    %get3A_132 = vector.load %arg5[%get3A_130, %get3A_131] : memref<1024x1xf32, #tpu.memory_space<vmem>>, vector<8x1xf32>
    %sub3A_133 = vector.broadcast %get3A_132 : vector<8x1xf32> to vector<8x512xf32>
    %sub3A_134 = arith.subf %slice3A_129, %sub3A_133 : vector<8x512xf32>
    %gt3A_135 = arith.cmpf ogt, %sub3A_134, %max3A_95 : vector<8x512xf32>
    %jit3A_136 = arith.constant 7.000000e+00 : f32
    %broadcast_in_dim3A_137 = vector.broadcast %jit3A_136 : f32 to vector<8x512xf32>
    %select_n3A_138 = arith.select %gt3A_135, %broadcast_in_dim3A_137, %select_n3A_94 : vector<8x512xi1>, vector<8x512xf32>
    %max3A_139 = arith.maximumf %sub3A_134, %max3A_95 : vector<8x512xf32>
    %slice3A_140 = vector.extract_strided_slice %dot_general3A_42 {offsets = [64, 0], sizes = [8, 512], strides = [1, 1]} : vector<1024x512xf32> to vector<8x512xf32>
    %get3A_141 = arith.constant 64 : index
    %get3A_142 = arith.constant 0 : index
    %get3A_143 = vector.load %arg5[%get3A_141, %get3A_142] : memref<1024x1xf32, #tpu.memory_space<vmem>>, vector<8x1xf32>
    %sub3A_144 = vector.broadcast %get3A_143 : vector<8x1xf32> to vector<8x512xf32>
    %sub3A_145 = arith.subf %slice3A_140, %sub3A_144 : vector<8x512xf32>
    %gt3A_146 = arith.cmpf ogt, %sub3A_145, %max3A_106 : vector<8x512xf32>
    %jit3A_147 = arith.constant 8.000000e+00 : f32
    %broadcast_in_dim3A_148 = vector.broadcast %jit3A_147 : f32 to vector<8x512xf32>
    %select_n3A_149 = arith.select %gt3A_146, %broadcast_in_dim3A_148, %select_n3A_105 : vector<8x512xi1>, vector<8x512xf32>
    %max3A_150 = arith.maximumf %sub3A_145, %max3A_106 : vector<8x512xf32>
    %slice3A_151 = vector.extract_strided_slice %dot_general3A_42 {offsets = [72, 0], sizes = [8, 512], strides = [1, 1]} : vector<1024x512xf32> to vector<8x512xf32>
    %get3A_152 = arith.constant 72 : index
    %get3A_153 = arith.constant 0 : index
    %get3A_154 = vector.load %arg5[%get3A_152, %get3A_153] : memref<1024x1xf32, #tpu.memory_space<vmem>>, vector<8x1xf32>
    %sub3A_155 = vector.broadcast %get3A_154 : vector<8x1xf32> to vector<8x512xf32>
    %sub3A_156 = arith.subf %slice3A_151, %sub3A_155 : vector<8x512xf32>
    %gt3A_157 = arith.cmpf ogt, %sub3A_156, %max3A_117 : vector<8x512xf32>
    %jit3A_158 = arith.constant 9.000000e+00 : f32
    %broadcast_in_dim3A_159 = vector.broadcast %jit3A_158 : f32 to vector<8x512xf32>
    %select_n3A_160 = arith.select %gt3A_157, %broadcast_in_dim3A_159, %select_n3A_116 : vector<8x512xi1>, vector<8x512xf32>
    %max3A_161 = arith.maximumf %sub3A_156, %max3A_117 : vector<8x512xf32>
    %slice3A_162 = vector.extract_strided_slice %dot_general3A_42 {offsets = [80, 0], sizes = [8, 512], strides = [1, 1]} : vector<1024x512xf32> to vector<8x512xf32>
    %get3A_163 = arith.constant 80 : index
    %get3A_164 = arith.constant 0 : index
    %get3A_165 = vector.load %arg5[%get3A_163, %get3A_164] : memref<1024x1xf32, #tpu.memory_space<vmem>>, vector<8x1xf32>
    %sub3A_166 = vector.broadcast %get3A_165 : vector<8x1xf32> to vector<8x512xf32>
    %sub3A_167 = arith.subf %slice3A_162, %sub3A_166 : vector<8x512xf32>
    %gt3A_168 = arith.cmpf ogt, %sub3A_167, %max3A_128 : vector<8x512xf32>
    %jit3A_169 = arith.constant 1.000000e+01 : f32
    %broadcast_in_dim3A_170 = vector.broadcast %jit3A_169 : f32 to vector<8x512xf32>
    %select_n3A_171 = arith.select %gt3A_168, %broadcast_in_dim3A_170, %select_n3A_127 : vector<8x512xi1>, vector<8x512xf32>
    %max3A_172 = arith.maximumf %sub3A_167, %max3A_128 : vector<8x512xf32>
    %slice3A_173 = vector.extract_strided_slice %dot_general3A_42 {offsets = [88, 0], sizes = [8, 512], strides = [1, 1]} : vector<1024x512xf32> to vector<8x512xf32>
    %get3A_174 = arith.constant 88 : index
    %get3A_175 = arith.constant 0 : index
    %get3A_176 = vector.load %arg5[%get3A_174, %get3A_175] : memref<1024x1xf32, #tpu.memory_space<vmem>>, vector<8x1xf32>
    %sub3A_177 = vector.broadcast %get3A_176 : vector<8x1xf32> to vector<8x512xf32>
    %sub3A_178 = arith.subf %slice3A_173, %sub3A_177 : vector<8x512xf32>
    %gt3A_179 = arith.cmpf ogt, %sub3A_178, %max3A_139 : vector<8x512xf32>
    %jit3A_180 = arith.constant 1.100000e+01 : f32
    %broadcast_in_dim3A_181 = vector.broadcast %jit3A_180 : f32 to vector<8x512xf32>
    %select_n3A_182 = arith.select %gt3A_179, %broadcast_in_dim3A_181, %select_n3A_138 : vector<8x512xi1>, vector<8x512xf32>
    %max3A_183 = arith.maximumf %sub3A_178, %max3A_139 : vector<8x512xf32>
    %slice3A_184 = vector.extract_strided_slice %dot_general3A_42 {offsets = [96, 0], sizes = [8, 512], strides = [1, 1]} : vector<1024x512xf32> to vector<8x512xf32>
    %get3A_185 = arith.constant 96 : index
    %get3A_186 = arith.constant 0 : index
    %get3A_187 = vector.load %arg5[%get3A_185, %get3A_186] : memref<1024x1xf32, #tpu.memory_space<vmem>>, vector<8x1xf32>
    %sub3A_188 = vector.broadcast %get3A_187 : vector<8x1xf32> to vector<8x512xf32>
    %sub3A_189 = arith.subf %slice3A_184, %sub3A_188 : vector<8x512xf32>
    %gt3A_190 = arith.cmpf ogt, %sub3A_189, %max3A_150 : vector<8x512xf32>
    %jit3A_191 = arith.constant 1.200000e+01 : f32
    %broadcast_in_dim3A_192 = vector.broadcast %jit3A_191 : f32 to vector<8x512xf32>
    %select_n3A_193 = arith.select %gt3A_190, %broadcast_in_dim3A_192, %select_n3A_149 : vector<8x512xi1>, vector<8x512xf32>
    %max3A_194 = arith.maximumf %sub3A_189, %max3A_150 : vector<8x512xf32>
    %slice3A_195 = vector.extract_strided_slice %dot_general3A_42 {offsets = [104, 0], sizes = [8, 512], strides = [1, 1]} : vector<1024x512xf32> to vector<8x512xf32>
    %get3A_196 = arith.constant 104 : index
    %get3A_197 = arith.constant 0 : index
    %get3A_198 = vector.load %arg5[%get3A_196, %get3A_197] : memref<1024x1xf32, #tpu.memory_space<vmem>>, vector<8x1xf32>
    %sub3A_199 = vector.broadcast %get3A_198 : vector<8x1xf32> to vector<8x512xf32>
    %sub3A_200 = arith.subf %slice3A_195, %sub3A_199 : vector<8x512xf32>
    %gt3A_201 = arith.cmpf ogt, %sub3A_200, %max3A_161 : vector<8x512xf32>
    %jit3A_202 = arith.constant 1.300000e+01 : f32
    %broadcast_in_dim3A_203 = vector.broadcast %jit3A_202 : f32 to vector<8x512xf32>
    %select_n3A_204 = arith.select %gt3A_201, %broadcast_in_dim3A_203, %select_n3A_160 : vector<8x512xi1>, vector<8x512xf32>
    %max3A_205 = arith.maximumf %sub3A_200, %max3A_161 : vector<8x512xf32>
    %slice3A_206 = vector.extract_strided_slice %dot_general3A_42 {offsets = [112, 0], sizes = [8, 512], strides = [1, 1]} : vector<1024x512xf32> to vector<8x512xf32>
    %get3A_207 = arith.constant 112 : index
    %get3A_208 = arith.constant 0 : index
    %get3A_209 = vector.load %arg5[%get3A_207, %get3A_208] : memref<1024x1xf32, #tpu.memory_space<vmem>>, vector<8x1xf32>
    %sub3A_210 = vector.broadcast %get3A_209 : vector<8x1xf32> to vector<8x512xf32>
    %sub3A_211 = arith.subf %slice3A_206, %sub3A_210 : vector<8x512xf32>
    %gt3A_212 = arith.cmpf ogt, %sub3A_211, %max3A_172 : vector<8x512xf32>
    %jit3A_213 = arith.constant 1.400000e+01 : f32
    %broadcast_in_dim3A_214 = vector.broadcast %jit3A_213 : f32 to vector<8x512xf32>
    %select_n3A_215 = arith.select %gt3A_212, %broadcast_in_dim3A_214, %select_n3A_171 : vector<8x512xi1>, vector<8x512xf32>
    %max3A_216 = arith.maximumf %sub3A_211, %max3A_172 : vector<8x512xf32>
    %slice3A_217 = vector.extract_strided_slice %dot_general3A_42 {offsets = [120, 0], sizes = [8, 512], strides = [1, 1]} : vector<1024x512xf32> to vector<8x512xf32>
    %get3A_218 = arith.constant 120 : index
    %get3A_219 = arith.constant 0 : index
    %get3A_220 = vector.load %arg5[%get3A_218, %get3A_219] : memref<1024x1xf32, #tpu.memory_space<vmem>>, vector<8x1xf32>
    %sub3A_221 = vector.broadcast %get3A_220 : vector<8x1xf32> to vector<8x512xf32>
    %sub3A_222 = arith.subf %slice3A_217, %sub3A_221 : vector<8x512xf32>
    %gt3A_223 = arith.cmpf ogt, %sub3A_222, %max3A_183 : vector<8x512xf32>
    %jit3A_224 = arith.constant 1.500000e+01 : f32
    %broadcast_in_dim3A_225 = vector.broadcast %jit3A_224 : f32 to vector<8x512xf32>
    %select_n3A_226 = arith.select %gt3A_223, %broadcast_in_dim3A_225, %select_n3A_182 : vector<8x512xi1>, vector<8x512xf32>
    %max3A_227 = arith.maximumf %sub3A_222, %max3A_183 : vector<8x512xf32>
    %slice3A_228 = vector.extract_strided_slice %dot_general3A_42 {offsets = [128, 0], sizes = [8, 512], strides = [1, 1]} : vector<1024x512xf32> to vector<8x512xf32>
    %get3A_229 = arith.constant 128 : index
    %get3A_230 = arith.constant 0 : index
    %get3A_231 = vector.load %arg5[%get3A_229, %get3A_230] : memref<1024x1xf32, #tpu.memory_space<vmem>>, vector<8x1xf32>
    %sub3A_232 = vector.broadcast %get3A_231 : vector<8x1xf32> to vector<8x512xf32>
    %sub3A_233 = arith.subf %slice3A_228, %sub3A_232 : vector<8x512xf32>
    %gt3A_234 = arith.cmpf ogt, %sub3A_233, %max3A_194 : vector<8x512xf32>
    %jit3A_235 = arith.constant 1.600000e+01 : f32
    %broadcast_in_dim3A_236 = vector.broadcast %jit3A_235 : f32 to vector<8x512xf32>
    %select_n3A_237 = arith.select %gt3A_234, %broadcast_in_dim3A_236, %select_n3A_193 : vector<8x512xi1>, vector<8x512xf32>
    %max3A_238 = arith.maximumf %sub3A_233, %max3A_194 : vector<8x512xf32>
    %slice3A_239 = vector.extract_strided_slice %dot_general3A_42 {offsets = [136, 0], sizes = [8, 512], strides = [1, 1]} : vector<1024x512xf32> to vector<8x512xf32>
    %get3A_240 = arith.constant 136 : index
    %get3A_241 = arith.constant 0 : index
    %get3A_242 = vector.load %arg5[%get3A_240, %get3A_241] : memref<1024x1xf32, #tpu.memory_space<vmem>>, vector<8x1xf32>
    %sub3A_243 = vector.broadcast %get3A_242 : vector<8x1xf32> to vector<8x512xf32>
    %sub3A_244 = arith.subf %slice3A_239, %sub3A_243 : vector<8x512xf32>
    %gt3A_245 = arith.cmpf ogt, %sub3A_244, %max3A_205 : vector<8x512xf32>
    %jit3A_246 = arith.constant 1.700000e+01 : f32
    %broadcast_in_dim3A_247 = vector.broadcast %jit3A_246 : f32 to vector<8x512xf32>
    %select_n3A_248 = arith.select %gt3A_245, %broadcast_in_dim3A_247, %select_n3A_204 : vector<8x512xi1>, vector<8x512xf32>
    %max3A_249 = arith.maximumf %sub3A_244, %max3A_205 : vector<8x512xf32>
    %slice3A_250 = vector.extract_strided_slice %dot_general3A_42 {offsets = [144, 0], sizes = [8, 512], strides = [1, 1]} : vector<1024x512xf32> to vector<8x512xf32>
    %get3A_251 = arith.constant 144 : index
    %get3A_252 = arith.constant 0 : index
    %get3A_253 = vector.load %arg5[%get3A_251, %get3A_252] : memref<1024x1xf32, #tpu.memory_space<vmem>>, vector<8x1xf32>
    %sub3A_254 = vector.broadcast %get3A_253 : vector<8x1xf32> to vector<8x512xf32>
    %sub3A_255 = arith.subf %slice3A_250, %sub3A_254 : vector<8x512xf32>
    %gt3A_256 = arith.cmpf ogt, %sub3A_255, %max3A_216 : vector<8x512xf32>
    %jit3A_257 = arith.constant 1.800000e+01 : f32
    %broadcast_in_dim3A_258 = vector.broadcast %jit3A_257 : f32 to vector<8x512xf32>
    %select_n3A_259 = arith.select %gt3A_256, %broadcast_in_dim3A_258, %select_n3A_215 : vector<8x512xi1>, vector<8x512xf32>
    %max3A_260 = arith.maximumf %sub3A_255, %max3A_216 : vector<8x512xf32>
    %slice3A_261 = vector.extract_strided_slice %dot_general3A_42 {offsets = [152, 0], sizes = [8, 512], strides = [1, 1]} : vector<1024x512xf32> to vector<8x512xf32>
    %get3A_262 = arith.constant 152 : index
    %get3A_263 = arith.constant 0 : index
    %get3A_264 = vector.load %arg5[%get3A_262, %get3A_263] : memref<1024x1xf32, #tpu.memory_space<vmem>>, vector<8x1xf32>
    %sub3A_265 = vector.broadcast %get3A_264 : vector<8x1xf32> to vector<8x512xf32>
    %sub3A_266 = arith.subf %slice3A_261, %sub3A_265 : vector<8x512xf32>
    %gt3A_267 = arith.cmpf ogt, %sub3A_266, %max3A_227 : vector<8x512xf32>
    %jit3A_268 = arith.constant 1.900000e+01 : f32
    %broadcast_in_dim3A_269 = vector.broadcast %jit3A_268 : f32 to vector<8x512xf32>
    %select_n3A_270 = arith.select %gt3A_267, %broadcast_in_dim3A_269, %select_n3A_226 : vector<8x512xi1>, vector<8x512xf32>
    %max3A_271 = arith.maximumf %sub3A_266, %max3A_227 : vector<8x512xf32>
    %slice3A_272 = vector.extract_strided_slice %dot_general3A_42 {offsets = [160, 0], sizes = [8, 512], strides = [1, 1]} : vector<1024x512xf32> to vector<8x512xf32>
    %get3A_273 = arith.constant 160 : index
    %get3A_274 = arith.constant 0 : index
    %get3A_275 = vector.load %arg5[%get3A_273, %get3A_274] : memref<1024x1xf32, #tpu.memory_space<vmem>>, vector<8x1xf32>
    %sub3A_276 = vector.broadcast %get3A_275 : vector<8x1xf32> to vector<8x512xf32>
    %sub3A_277 = arith.subf %slice3A_272, %sub3A_276 : vector<8x512xf32>
    %gt3A_278 = arith.cmpf ogt, %sub3A_277, %max3A_238 : vector<8x512xf32>
    %jit3A_279 = arith.constant 2.000000e+01 : f32
    %broadcast_in_dim3A_280 = vector.broadcast %jit3A_279 : f32 to vector<8x512xf32>
    %select_n3A_281 = arith.select %gt3A_278, %broadcast_in_dim3A_280, %select_n3A_237 : vector<8x512xi1>, vector<8x512xf32>
    %max3A_282 = arith.maximumf %sub3A_277, %max3A_238 : vector<8x512xf32>
    %slice3A_283 = vector.extract_strided_slice %dot_general3A_42 {offsets = [168, 0], sizes = [8, 512], strides = [1, 1]} : vector<1024x512xf32> to vector<8x512xf32>
    %get3A_284 = arith.constant 168 : index
    %get3A_285 = arith.constant 0 : index
    %get3A_286 = vector.load %arg5[%get3A_284, %get3A_285] : memref<1024x1xf32, #tpu.memory_space<vmem>>, vector<8x1xf32>
    %sub3A_287 = vector.broadcast %get3A_286 : vector<8x1xf32> to vector<8x512xf32>
    %sub3A_288 = arith.subf %slice3A_283, %sub3A_287 : vector<8x512xf32>
    %gt3A_289 = arith.cmpf ogt, %sub3A_288, %max3A_249 : vector<8x512xf32>
    %jit3A_290 = arith.constant 2.100000e+01 : f32
    %broadcast_in_dim3A_291 = vector.broadcast %jit3A_290 : f32 to vector<8x512xf32>
    %select_n3A_292 = arith.select %gt3A_289, %broadcast_in_dim3A_291, %select_n3A_248 : vector<8x512xi1>, vector<8x512xf32>
    %max3A_293 = arith.maximumf %sub3A_288, %max3A_249 : vector<8x512xf32>
    %slice3A_294 = vector.extract_strided_slice %dot_general3A_42 {offsets = [176, 0], sizes = [8, 512], strides = [1, 1]} : vector<1024x512xf32> to vector<8x512xf32>
    %get3A_295 = arith.constant 176 : index
    %get3A_296 = arith.constant 0 : index
    %get3A_297 = vector.load %arg5[%get3A_295, %get3A_296] : memref<1024x1xf32, #tpu.memory_space<vmem>>, vector<8x1xf32>
    %sub3A_298 = vector.broadcast %get3A_297 : vector<8x1xf32> to vector<8x512xf32>
    %sub3A_299 = arith.subf %slice3A_294, %sub3A_298 : vector<8x512xf32>
    %gt3A_300 = arith.cmpf ogt, %sub3A_299, %max3A_260 : vector<8x512xf32>
    %jit3A_301 = arith.constant 2.200000e+01 : f32
    %broadcast_in_dim3A_302 = vector.broadcast %jit3A_301 : f32 to vector<8x512xf32>
    %select_n3A_303 = arith.select %gt3A_300, %broadcast_in_dim3A_302, %select_n3A_259 : vector<8x512xi1>, vector<8x512xf32>
    %max3A_304 = arith.maximumf %sub3A_299, %max3A_260 : vector<8x512xf32>
    %slice3A_305 = vector.extract_strided_slice %dot_general3A_42 {offsets = [184, 0], sizes = [8, 512], strides = [1, 1]} : vector<1024x512xf32> to vector<8x512xf32>
    %get3A_306 = arith.constant 184 : index
    %get3A_307 = arith.constant 0 : index
    %get3A_308 = vector.load %arg5[%get3A_306, %get3A_307] : memref<1024x1xf32, #tpu.memory_space<vmem>>, vector<8x1xf32>
    %sub3A_309 = vector.broadcast %get3A_308 : vector<8x1xf32> to vector<8x512xf32>
    %sub3A_310 = arith.subf %slice3A_305, %sub3A_309 : vector<8x512xf32>
    %gt3A_311 = arith.cmpf ogt, %sub3A_310, %max3A_271 : vector<8x512xf32>
    %jit3A_312 = arith.constant 2.300000e+01 : f32
    %broadcast_in_dim3A_313 = vector.broadcast %jit3A_312 : f32 to vector<8x512xf32>
    %select_n3A_314 = arith.select %gt3A_311, %broadcast_in_dim3A_313, %select_n3A_270 : vector<8x512xi1>, vector<8x512xf32>
    %max3A_315 = arith.maximumf %sub3A_310, %max3A_271 : vector<8x512xf32>
    %slice3A_316 = vector.extract_strided_slice %dot_general3A_42 {offsets = [192, 0], sizes = [8, 512], strides = [1, 1]} : vector<1024x512xf32> to vector<8x512xf32>
    %get3A_317 = arith.constant 192 : index
    %get3A_318 = arith.constant 0 : index
    %get3A_319 = vector.load %arg5[%get3A_317, %get3A_318] : memref<1024x1xf32, #tpu.memory_space<vmem>>, vector<8x1xf32>
    %sub3A_320 = vector.broadcast %get3A_319 : vector<8x1xf32> to vector<8x512xf32>
    %sub3A_321 = arith.subf %slice3A_316, %sub3A_320 : vector<8x512xf32>
    %gt3A_322 = arith.cmpf ogt, %sub3A_321, %max3A_282 : vector<8x512xf32>
    %jit3A_323 = arith.constant 2.400000e+01 : f32
    %broadcast_in_dim3A_324 = vector.broadcast %jit3A_323 : f32 to vector<8x512xf32>
    %select_n3A_325 = arith.select %gt3A_322, %broadcast_in_dim3A_324, %select_n3A_281 : vector<8x512xi1>, vector<8x512xf32>
    %max3A_326 = arith.maximumf %sub3A_321, %max3A_282 : vector<8x512xf32>
    %slice3A_327 = vector.extract_strided_slice %dot_general3A_42 {offsets = [200, 0], sizes = [8, 512], strides = [1, 1]} : vector<1024x512xf32> to vector<8x512xf32>
    %get3A_328 = arith.constant 200 : index
    %get3A_329 = arith.constant 0 : index
    %get3A_330 = vector.load %arg5[%get3A_328, %get3A_329] : memref<1024x1xf32, #tpu.memory_space<vmem>>, vector<8x1xf32>
    %sub3A_331 = vector.broadcast %get3A_330 : vector<8x1xf32> to vector<8x512xf32>
    %sub3A_332 = arith.subf %slice3A_327, %sub3A_331 : vector<8x512xf32>
    %gt3A_333 = arith.cmpf ogt, %sub3A_332, %max3A_293 : vector<8x512xf32>
    %jit3A_334 = arith.constant 2.500000e+01 : f32
    %broadcast_in_dim3A_335 = vector.broadcast %jit3A_334 : f32 to vector<8x512xf32>
    %select_n3A_336 = arith.select %gt3A_333, %broadcast_in_dim3A_335, %select_n3A_292 : vector<8x512xi1>, vector<8x512xf32>
    %max3A_337 = arith.maximumf %sub3A_332, %max3A_293 : vector<8x512xf32>
    %slice3A_338 = vector.extract_strided_slice %dot_general3A_42 {offsets = [208, 0], sizes = [8, 512], strides = [1, 1]} : vector<1024x512xf32> to vector<8x512xf32>
    %get3A_339 = arith.constant 208 : index
    %get3A_340 = arith.constant 0 : index
    %get3A_341 = vector.load %arg5[%get3A_339, %get3A_340] : memref<1024x1xf32, #tpu.memory_space<vmem>>, vector<8x1xf32>
    %sub3A_342 = vector.broadcast %get3A_341 : vector<8x1xf32> to vector<8x512xf32>
    %sub3A_343 = arith.subf %slice3A_338, %sub3A_342 : vector<8x512xf32>
    %gt3A_344 = arith.cmpf ogt, %sub3A_343, %max3A_304 : vector<8x512xf32>
    %jit3A_345 = arith.constant 2.600000e+01 : f32
    %broadcast_in_dim3A_346 = vector.broadcast %jit3A_345 : f32 to vector<8x512xf32>
    %select_n3A_347 = arith.select %gt3A_344, %broadcast_in_dim3A_346, %select_n3A_303 : vector<8x512xi1>, vector<8x512xf32>
    %max3A_348 = arith.maximumf %sub3A_343, %max3A_304 : vector<8x512xf32>
    %slice3A_349 = vector.extract_strided_slice %dot_general3A_42 {offsets = [216, 0], sizes = [8, 512], strides = [1, 1]} : vector<1024x512xf32> to vector<8x512xf32>
    %get3A_350 = arith.constant 216 : index
    %get3A_351 = arith.constant 0 : index
    %get3A_352 = vector.load %arg5[%get3A_350, %get3A_351] : memref<1024x1xf32, #tpu.memory_space<vmem>>, vector<8x1xf32>
    %sub3A_353 = vector.broadcast %get3A_352 : vector<8x1xf32> to vector<8x512xf32>
    %sub3A_354 = arith.subf %slice3A_349, %sub3A_353 : vector<8x512xf32>
    %gt3A_355 = arith.cmpf ogt, %sub3A_354, %max3A_315 : vector<8x512xf32>
    %jit3A_356 = arith.constant 2.700000e+01 : f32
    %broadcast_in_dim3A_357 = vector.broadcast %jit3A_356 : f32 to vector<8x512xf32>
    %select_n3A_358 = arith.select %gt3A_355, %broadcast_in_dim3A_357, %select_n3A_314 : vector<8x512xi1>, vector<8x512xf32>
    %max3A_359 = arith.maximumf %sub3A_354, %max3A_315 : vector<8x512xf32>
    %slice3A_360 = vector.extract_strided_slice %dot_general3A_42 {offsets = [224, 0], sizes = [8, 512], strides = [1, 1]} : vector<1024x512xf32> to vector<8x512xf32>
    %get3A_361 = arith.constant 224 : index
    %get3A_362 = arith.constant 0 : index
    %get3A_363 = vector.load %arg5[%get3A_361, %get3A_362] : memref<1024x1xf32, #tpu.memory_space<vmem>>, vector<8x1xf32>
    %sub3A_364 = vector.broadcast %get3A_363 : vector<8x1xf32> to vector<8x512xf32>
    %sub3A_365 = arith.subf %slice3A_360, %sub3A_364 : vector<8x512xf32>
    %gt3A_366 = arith.cmpf ogt, %sub3A_365, %max3A_326 : vector<8x512xf32>
    %jit3A_367 = arith.constant 2.800000e+01 : f32
    %broadcast_in_dim3A_368 = vector.broadcast %jit3A_367 : f32 to vector<8x512xf32>
    %select_n3A_369 = arith.select %gt3A_366, %broadcast_in_dim3A_368, %select_n3A_325 : vector<8x512xi1>, vector<8x512xf32>
    %max3A_370 = arith.maximumf %sub3A_365, %max3A_326 : vector<8x512xf32>
    %slice3A_371 = vector.extract_strided_slice %dot_general3A_42 {offsets = [232, 0], sizes = [8, 512], strides = [1, 1]} : vector<1024x512xf32> to vector<8x512xf32>
    %get3A_372 = arith.constant 232 : index
    %get3A_373 = arith.constant 0 : index
    %get3A_374 = vector.load %arg5[%get3A_372, %get3A_373] : memref<1024x1xf32, #tpu.memory_space<vmem>>, vector<8x1xf32>
    %sub3A_375 = vector.broadcast %get3A_374 : vector<8x1xf32> to vector<8x512xf32>
    %sub3A_376 = arith.subf %slice3A_371, %sub3A_375 : vector<8x512xf32>
    %gt3A_377 = arith.cmpf ogt, %sub3A_376, %max3A_337 : vector<8x512xf32>
    %jit3A_378 = arith.constant 2.900000e+01 : f32
    %broadcast_in_dim3A_379 = vector.broadcast %jit3A_378 : f32 to vector<8x512xf32>
    %select_n3A_380 = arith.select %gt3A_377, %broadcast_in_dim3A_379, %select_n3A_336 : vector<8x512xi1>, vector<8x512xf32>
    %max3A_381 = arith.maximumf %sub3A_376, %max3A_337 : vector<8x512xf32>
    %slice3A_382 = vector.extract_strided_slice %dot_general3A_42 {offsets = [240, 0], sizes = [8, 512], strides = [1, 1]} : vector<1024x512xf32> to vector<8x512xf32>
    %get3A_383 = arith.constant 240 : index
    %get3A_384 = arith.constant 0 : index
    %get3A_385 = vector.load %arg5[%get3A_383, %get3A_384] : memref<1024x1xf32, #tpu.memory_space<vmem>>, vector<8x1xf32>
    %sub3A_386 = vector.broadcast %get3A_385 : vector<8x1xf32> to vector<8x512xf32>
    %sub3A_387 = arith.subf %slice3A_382, %sub3A_386 : vector<8x512xf32>
    %gt3A_388 = arith.cmpf ogt, %sub3A_387, %max3A_348 : vector<8x512xf32>
    %jit3A_389 = arith.constant 3.000000e+01 : f32
    %broadcast_in_dim3A_390 = vector.broadcast %jit3A_389 : f32 to vector<8x512xf32>
    %select_n3A_391 = arith.select %gt3A_388, %broadcast_in_dim3A_390, %select_n3A_347 : vector<8x512xi1>, vector<8x512xf32>
    %max3A_392 = arith.maximumf %sub3A_387, %max3A_348 : vector<8x512xf32>
    %slice3A_393 = vector.extract_strided_slice %dot_general3A_42 {offsets = [248, 0], sizes = [8, 512], strides = [1, 1]} : vector<1024x512xf32> to vector<8x512xf32>
    %get3A_394 = arith.constant 248 : index
    %get3A_395 = arith.constant 0 : index
    %get3A_396 = vector.load %arg5[%get3A_394, %get3A_395] : memref<1024x1xf32, #tpu.memory_space<vmem>>, vector<8x1xf32>
    %sub3A_397 = vector.broadcast %get3A_396 : vector<8x1xf32> to vector<8x512xf32>
    %sub3A_398 = arith.subf %slice3A_393, %sub3A_397 : vector<8x512xf32>
    %gt3A_399 = arith.cmpf ogt, %sub3A_398, %max3A_359 : vector<8x512xf32>
    %jit3A_400 = arith.constant 3.100000e+01 : f32
    %broadcast_in_dim3A_401 = vector.broadcast %jit3A_400 : f32 to vector<8x512xf32>
    %select_n3A_402 = arith.select %gt3A_399, %broadcast_in_dim3A_401, %select_n3A_358 : vector<8x512xi1>, vector<8x512xf32>
    %max3A_403 = arith.maximumf %sub3A_398, %max3A_359 : vector<8x512xf32>
    %slice3A_404 = vector.extract_strided_slice %dot_general3A_42 {offsets = [256, 0], sizes = [8, 512], strides = [1, 1]} : vector<1024x512xf32> to vector<8x512xf32>
    %get3A_405 = arith.constant 256 : index
    %get3A_406 = arith.constant 0 : index
    %get3A_407 = vector.load %arg5[%get3A_405, %get3A_406] : memref<1024x1xf32, #tpu.memory_space<vmem>>, vector<8x1xf32>
    %sub3A_408 = vector.broadcast %get3A_407 : vector<8x1xf32> to vector<8x512xf32>
    %sub3A_409 = arith.subf %slice3A_404, %sub3A_408 : vector<8x512xf32>
    %gt3A_410 = arith.cmpf ogt, %sub3A_409, %max3A_370 : vector<8x512xf32>
    %jit3A_411 = arith.constant 3.200000e+01 : f32
    %broadcast_in_dim3A_412 = vector.broadcast %jit3A_411 : f32 to vector<8x512xf32>
    %select_n3A_413 = arith.select %gt3A_410, %broadcast_in_dim3A_412, %select_n3A_369 : vector<8x512xi1>, vector<8x512xf32>
    %max3A_414 = arith.maximumf %sub3A_409, %max3A_370 : vector<8x512xf32>
    %slice3A_415 = vector.extract_strided_slice %dot_general3A_42 {offsets = [264, 0], sizes = [8, 512], strides = [1, 1]} : vector<1024x512xf32> to vector<8x512xf32>
    %get3A_416 = arith.constant 264 : index
    %get3A_417 = arith.constant 0 : index
    %get3A_418 = vector.load %arg5[%get3A_416, %get3A_417] : memref<1024x1xf32, #tpu.memory_space<vmem>>, vector<8x1xf32>
    %sub3A_419 = vector.broadcast %get3A_418 : vector<8x1xf32> to vector<8x512xf32>
    %sub3A_420 = arith.subf %slice3A_415, %sub3A_419 : vector<8x512xf32>
    %gt3A_421 = arith.cmpf ogt, %sub3A_420, %max3A_381 : vector<8x512xf32>
    %jit3A_422 = arith.constant 3.300000e+01 : f32
    %broadcast_in_dim3A_423 = vector.broadcast %jit3A_422 : f32 to vector<8x512xf32>
    %select_n3A_424 = arith.select %gt3A_421, %broadcast_in_dim3A_423, %select_n3A_380 : vector<8x512xi1>, vector<8x512xf32>
    %max3A_425 = arith.maximumf %sub3A_420, %max3A_381 : vector<8x512xf32>
    %slice3A_426 = vector.extract_strided_slice %dot_general3A_42 {offsets = [272, 0], sizes = [8, 512], strides = [1, 1]} : vector<1024x512xf32> to vector<8x512xf32>
    %get3A_427 = arith.constant 272 : index
    %get3A_428 = arith.constant 0 : index
    %get3A_429 = vector.load %arg5[%get3A_427, %get3A_428] : memref<1024x1xf32, #tpu.memory_space<vmem>>, vector<8x1xf32>
    %sub3A_430 = vector.broadcast %get3A_429 : vector<8x1xf32> to vector<8x512xf32>
    %sub3A_431 = arith.subf %slice3A_426, %sub3A_430 : vector<8x512xf32>
    %gt3A_432 = arith.cmpf ogt, %sub3A_431, %max3A_392 : vector<8x512xf32>
    %jit3A_433 = arith.constant 3.400000e+01 : f32
    %broadcast_in_dim3A_434 = vector.broadcast %jit3A_433 : f32 to vector<8x512xf32>
    %select_n3A_435 = arith.select %gt3A_432, %broadcast_in_dim3A_434, %select_n3A_391 : vector<8x512xi1>, vector<8x512xf32>
    %max3A_436 = arith.maximumf %sub3A_431, %max3A_392 : vector<8x512xf32>
    %slice3A_437 = vector.extract_strided_slice %dot_general3A_42 {offsets = [280, 0], sizes = [8, 512], strides = [1, 1]} : vector<1024x512xf32> to vector<8x512xf32>
    %get3A_438 = arith.constant 280 : index
    %get3A_439 = arith.constant 0 : index
    %get3A_440 = vector.load %arg5[%get3A_438, %get3A_439] : memref<1024x1xf32, #tpu.memory_space<vmem>>, vector<8x1xf32>
    %sub3A_441 = vector.broadcast %get3A_440 : vector<8x1xf32> to vector<8x512xf32>
    %sub3A_442 = arith.subf %slice3A_437, %sub3A_441 : vector<8x512xf32>
    %gt3A_443 = arith.cmpf ogt, %sub3A_442, %max3A_403 : vector<8x512xf32>
    %jit3A_444 = arith.constant 3.500000e+01 : f32
    %broadcast_in_dim3A_445 = vector.broadcast %jit3A_444 : f32 to vector<8x512xf32>
    %select_n3A_446 = arith.select %gt3A_443, %broadcast_in_dim3A_445, %select_n3A_402 : vector<8x512xi1>, vector<8x512xf32>
    %max3A_447 = arith.maximumf %sub3A_442, %max3A_403 : vector<8x512xf32>
    %slice3A_448 = vector.extract_strided_slice %dot_general3A_42 {offsets = [288, 0], sizes = [8, 512], strides = [1, 1]} : vector<1024x512xf32> to vector<8x512xf32>
    %get3A_449 = arith.constant 288 : index
    %get3A_450 = arith.constant 0 : index
    %get3A_451 = vector.load %arg5[%get3A_449, %get3A_450] : memref<1024x1xf32, #tpu.memory_space<vmem>>, vector<8x1xf32>
    %sub3A_452 = vector.broadcast %get3A_451 : vector<8x1xf32> to vector<8x512xf32>
    %sub3A_453 = arith.subf %slice3A_448, %sub3A_452 : vector<8x512xf32>
    %gt3A_454 = arith.cmpf ogt, %sub3A_453, %max3A_414 : vector<8x512xf32>
    %jit3A_455 = arith.constant 3.600000e+01 : f32
    %broadcast_in_dim3A_456 = vector.broadcast %jit3A_455 : f32 to vector<8x512xf32>
    %select_n3A_457 = arith.select %gt3A_454, %broadcast_in_dim3A_456, %select_n3A_413 : vector<8x512xi1>, vector<8x512xf32>
    %max3A_458 = arith.maximumf %sub3A_453, %max3A_414 : vector<8x512xf32>
    %slice3A_459 = vector.extract_strided_slice %dot_general3A_42 {offsets = [296, 0], sizes = [8, 512], strides = [1, 1]} : vector<1024x512xf32> to vector<8x512xf32>
    %get3A_460 = arith.constant 296 : index
    %get3A_461 = arith.constant 0 : index
    %get3A_462 = vector.load %arg5[%get3A_460, %get3A_461] : memref<1024x1xf32, #tpu.memory_space<vmem>>, vector<8x1xf32>
    %sub3A_463 = vector.broadcast %get3A_462 : vector<8x1xf32> to vector<8x512xf32>
    %sub3A_464 = arith.subf %slice3A_459, %sub3A_463 : vector<8x512xf32>
    %gt3A_465 = arith.cmpf ogt, %sub3A_464, %max3A_425 : vector<8x512xf32>
    %jit3A_466 = arith.constant 3.700000e+01 : f32
    %broadcast_in_dim3A_467 = vector.broadcast %jit3A_466 : f32 to vector<8x512xf32>
    %select_n3A_468 = arith.select %gt3A_465, %broadcast_in_dim3A_467, %select_n3A_424 : vector<8x512xi1>, vector<8x512xf32>
    %max3A_469 = arith.maximumf %sub3A_464, %max3A_425 : vector<8x512xf32>
    %slice3A_470 = vector.extract_strided_slice %dot_general3A_42 {offsets = [304, 0], sizes = [8, 512], strides = [1, 1]} : vector<1024x512xf32> to vector<8x512xf32>
    %get3A_471 = arith.constant 304 : index
    %get3A_472 = arith.constant 0 : index
    %get3A_473 = vector.load %arg5[%get3A_471, %get3A_472] : memref<1024x1xf32, #tpu.memory_space<vmem>>, vector<8x1xf32>
    %sub3A_474 = vector.broadcast %get3A_473 : vector<8x1xf32> to vector<8x512xf32>
    %sub3A_475 = arith.subf %slice3A_470, %sub3A_474 : vector<8x512xf32>
    %gt3A_476 = arith.cmpf ogt, %sub3A_475, %max3A_436 : vector<8x512xf32>
    %jit3A_477 = arith.constant 3.800000e+01 : f32
    %broadcast_in_dim3A_478 = vector.broadcast %jit3A_477 : f32 to vector<8x512xf32>
    %select_n3A_479 = arith.select %gt3A_476, %broadcast_in_dim3A_478, %select_n3A_435 : vector<8x512xi1>, vector<8x512xf32>
    %max3A_480 = arith.maximumf %sub3A_475, %max3A_436 : vector<8x512xf32>
    %slice3A_481 = vector.extract_strided_slice %dot_general3A_42 {offsets = [312, 0], sizes = [8, 512], strides = [1, 1]} : vector<1024x512xf32> to vector<8x512xf32>
    %get3A_482 = arith.constant 312 : index
    %get3A_483 = arith.constant 0 : index
    %get3A_484 = vector.load %arg5[%get3A_482, %get3A_483] : memref<1024x1xf32, #tpu.memory_space<vmem>>, vector<8x1xf32>
    %sub3A_485 = vector.broadcast %get3A_484 : vector<8x1xf32> to vector<8x512xf32>
    %sub3A_486 = arith.subf %slice3A_481, %sub3A_485 : vector<8x512xf32>
    %gt3A_487 = arith.cmpf ogt, %sub3A_486, %max3A_447 : vector<8x512xf32>
    %jit3A_488 = arith.constant 3.900000e+01 : f32
    %broadcast_in_dim3A_489 = vector.broadcast %jit3A_488 : f32 to vector<8x512xf32>
    %select_n3A_490 = arith.select %gt3A_487, %broadcast_in_dim3A_489, %select_n3A_446 : vector<8x512xi1>, vector<8x512xf32>
    %max3A_491 = arith.maximumf %sub3A_486, %max3A_447 : vector<8x512xf32>
    %slice3A_492 = vector.extract_strided_slice %dot_general3A_42 {offsets = [320, 0], sizes = [8, 512], strides = [1, 1]} : vector<1024x512xf32> to vector<8x512xf32>
    %get3A_493 = arith.constant 320 : index
    %get3A_494 = arith.constant 0 : index
    %get3A_495 = vector.load %arg5[%get3A_493, %get3A_494] : memref<1024x1xf32, #tpu.memory_space<vmem>>, vector<8x1xf32>
    %sub3A_496 = vector.broadcast %get3A_495 : vector<8x1xf32> to vector<8x512xf32>
    %sub3A_497 = arith.subf %slice3A_492, %sub3A_496 : vector<8x512xf32>
    %gt3A_498 = arith.cmpf ogt, %sub3A_497, %max3A_458 : vector<8x512xf32>
    %jit3A_499 = arith.constant 4.000000e+01 : f32
    %broadcast_in_dim3A_500 = vector.broadcast %jit3A_499 : f32 to vector<8x512xf32>
    %select_n3A_501 = arith.select %gt3A_498, %broadcast_in_dim3A_500, %select_n3A_457 : vector<8x512xi1>, vector<8x512xf32>
    %max3A_502 = arith.maximumf %sub3A_497, %max3A_458 : vector<8x512xf32>
    %slice3A_503 = vector.extract_strided_slice %dot_general3A_42 {offsets = [328, 0], sizes = [8, 512], strides = [1, 1]} : vector<1024x512xf32> to vector<8x512xf32>
    %get3A_504 = arith.constant 328 : index
    %get3A_505 = arith.constant 0 : index
    %get3A_506 = vector.load %arg5[%get3A_504, %get3A_505] : memref<1024x1xf32, #tpu.memory_space<vmem>>, vector<8x1xf32>
    %sub3A_507 = vector.broadcast %get3A_506 : vector<8x1xf32> to vector<8x512xf32>
    %sub3A_508 = arith.subf %slice3A_503, %sub3A_507 : vector<8x512xf32>
    %gt3A_509 = arith.cmpf ogt, %sub3A_508, %max3A_469 : vector<8x512xf32>
    %jit3A_510 = arith.constant 4.100000e+01 : f32
    %broadcast_in_dim3A_511 = vector.broadcast %jit3A_510 : f32 to vector<8x512xf32>
    %select_n3A_512 = arith.select %gt3A_509, %broadcast_in_dim3A_511, %select_n3A_468 : vector<8x512xi1>, vector<8x512xf32>
    %max3A_513 = arith.maximumf %sub3A_508, %max3A_469 : vector<8x512xf32>
    %slice3A_514 = vector.extract_strided_slice %dot_general3A_42 {offsets = [336, 0], sizes = [8, 512], strides = [1, 1]} : vector<1024x512xf32> to vector<8x512xf32>
    %get3A_515 = arith.constant 336 : index
    %get3A_516 = arith.constant 0 : index
    %get3A_517 = vector.load %arg5[%get3A_515, %get3A_516] : memref<1024x1xf32, #tpu.memory_space<vmem>>, vector<8x1xf32>
    %sub3A_518 = vector.broadcast %get3A_517 : vector<8x1xf32> to vector<8x512xf32>
    %sub3A_519 = arith.subf %slice3A_514, %sub3A_518 : vector<8x512xf32>
    %gt3A_520 = arith.cmpf ogt, %sub3A_519, %max3A_480 : vector<8x512xf32>
    %jit3A_521 = arith.constant 4.200000e+01 : f32
    %broadcast_in_dim3A_522 = vector.broadcast %jit3A_521 : f32 to vector<8x512xf32>
    %select_n3A_523 = arith.select %gt3A_520, %broadcast_in_dim3A_522, %select_n3A_479 : vector<8x512xi1>, vector<8x512xf32>
    %max3A_524 = arith.maximumf %sub3A_519, %max3A_480 : vector<8x512xf32>
    %slice3A_525 = vector.extract_strided_slice %dot_general3A_42 {offsets = [344, 0], sizes = [8, 512], strides = [1, 1]} : vector<1024x512xf32> to vector<8x512xf32>
    %get3A_526 = arith.constant 344 : index
    %get3A_527 = arith.constant 0 : index
    %get3A_528 = vector.load %arg5[%get3A_526, %get3A_527] : memref<1024x1xf32, #tpu.memory_space<vmem>>, vector<8x1xf32>
    %sub3A_529 = vector.broadcast %get3A_528 : vector<8x1xf32> to vector<8x512xf32>
    %sub3A_530 = arith.subf %slice3A_525, %sub3A_529 : vector<8x512xf32>
    %gt3A_531 = arith.cmpf ogt, %sub3A_530, %max3A_491 : vector<8x512xf32>
    %jit3A_532 = arith.constant 4.300000e+01 : f32
    %broadcast_in_dim3A_533 = vector.broadcast %jit3A_532 : f32 to vector<8x512xf32>
    %select_n3A_534 = arith.select %gt3A_531, %broadcast_in_dim3A_533, %select_n3A_490 : vector<8x512xi1>, vector<8x512xf32>
    %max3A_535 = arith.maximumf %sub3A_530, %max3A_491 : vector<8x512xf32>
    %slice3A_536 = vector.extract_strided_slice %dot_general3A_42 {offsets = [352, 0], sizes = [8, 512], strides = [1, 1]} : vector<1024x512xf32> to vector<8x512xf32>
    %get3A_537 = arith.constant 352 : index
    %get3A_538 = arith.constant 0 : index
    %get3A_539 = vector.load %arg5[%get3A_537, %get3A_538] : memref<1024x1xf32, #tpu.memory_space<vmem>>, vector<8x1xf32>
    %sub3A_540 = vector.broadcast %get3A_539 : vector<8x1xf32> to vector<8x512xf32>
    %sub3A_541 = arith.subf %slice3A_536, %sub3A_540 : vector<8x512xf32>
    %gt3A_542 = arith.cmpf ogt, %sub3A_541, %max3A_502 : vector<8x512xf32>
    %jit3A_543 = arith.constant 4.400000e+01 : f32
    %broadcast_in_dim3A_544 = vector.broadcast %jit3A_543 : f32 to vector<8x512xf32>
    %select_n3A_545 = arith.select %gt3A_542, %broadcast_in_dim3A_544, %select_n3A_501 : vector<8x512xi1>, vector<8x512xf32>
    %max3A_546 = arith.maximumf %sub3A_541, %max3A_502 : vector<8x512xf32>
    %slice3A_547 = vector.extract_strided_slice %dot_general3A_42 {offsets = [360, 0], sizes = [8, 512], strides = [1, 1]} : vector<1024x512xf32> to vector<8x512xf32>
    %get3A_548 = arith.constant 360 : index
    %get3A_549 = arith.constant 0 : index
    %get3A_550 = vector.load %arg5[%get3A_548, %get3A_549] : memref<1024x1xf32, #tpu.memory_space<vmem>>, vector<8x1xf32>
    %sub3A_551 = vector.broadcast %get3A_550 : vector<8x1xf32> to vector<8x512xf32>
    %sub3A_552 = arith.subf %slice3A_547, %sub3A_551 : vector<8x512xf32>
    %gt3A_553 = arith.cmpf ogt, %sub3A_552, %max3A_513 : vector<8x512xf32>
    %jit3A_554 = arith.constant 4.500000e+01 : f32
    %broadcast_in_dim3A_555 = vector.broadcast %jit3A_554 : f32 to vector<8x512xf32>
    %select_n3A_556 = arith.select %gt3A_553, %broadcast_in_dim3A_555, %select_n3A_512 : vector<8x512xi1>, vector<8x512xf32>
    %max3A_557 = arith.maximumf %sub3A_552, %max3A_513 : vector<8x512xf32>
    %slice3A_558 = vector.extract_strided_slice %dot_general3A_42 {offsets = [368, 0], sizes = [8, 512], strides = [1, 1]} : vector<1024x512xf32> to vector<8x512xf32>
    %get3A_559 = arith.constant 368 : index
    %get3A_560 = arith.constant 0 : index
    %get3A_561 = vector.load %arg5[%get3A_559, %get3A_560] : memref<1024x1xf32, #tpu.memory_space<vmem>>, vector<8x1xf32>
    %sub3A_562 = vector.broadcast %get3A_561 : vector<8x1xf32> to vector<8x512xf32>
    %sub3A_563 = arith.subf %slice3A_558, %sub3A_562 : vector<8x512xf32>
    %gt3A_564 = arith.cmpf ogt, %sub3A_563, %max3A_524 : vector<8x512xf32>
    %jit3A_565 = arith.constant 4.600000e+01 : f32
    %broadcast_in_dim3A_566 = vector.broadcast %jit3A_565 : f32 to vector<8x512xf32>
    %select_n3A_567 = arith.select %gt3A_564, %broadcast_in_dim3A_566, %select_n3A_523 : vector<8x512xi1>, vector<8x512xf32>
    %max3A_568 = arith.maximumf %sub3A_563, %max3A_524 : vector<8x512xf32>
    %slice3A_569 = vector.extract_strided_slice %dot_general3A_42 {offsets = [376, 0], sizes = [8, 512], strides = [1, 1]} : vector<1024x512xf32> to vector<8x512xf32>
    %get3A_570 = arith.constant 376 : index
    %get3A_571 = arith.constant 0 : index
    %get3A_572 = vector.load %arg5[%get3A_570, %get3A_571] : memref<1024x1xf32, #tpu.memory_space<vmem>>, vector<8x1xf32>
    %sub3A_573 = vector.broadcast %get3A_572 : vector<8x1xf32> to vector<8x512xf32>
    %sub3A_574 = arith.subf %slice3A_569, %sub3A_573 : vector<8x512xf32>
    %gt3A_575 = arith.cmpf ogt, %sub3A_574, %max3A_535 : vector<8x512xf32>
    %jit3A_576 = arith.constant 4.700000e+01 : f32
    %broadcast_in_dim3A_577 = vector.broadcast %jit3A_576 : f32 to vector<8x512xf32>
    %select_n3A_578 = arith.select %gt3A_575, %broadcast_in_dim3A_577, %select_n3A_534 : vector<8x512xi1>, vector<8x512xf32>
    %max3A_579 = arith.maximumf %sub3A_574, %max3A_535 : vector<8x512xf32>
    %slice3A_580 = vector.extract_strided_slice %dot_general3A_42 {offsets = [384, 0], sizes = [8, 512], strides = [1, 1]} : vector<1024x512xf32> to vector<8x512xf32>
    %get3A_581 = arith.constant 384 : index
    %get3A_582 = arith.constant 0 : index
    %get3A_583 = vector.load %arg5[%get3A_581, %get3A_582] : memref<1024x1xf32, #tpu.memory_space<vmem>>, vector<8x1xf32>
    %sub3A_584 = vector.broadcast %get3A_583 : vector<8x1xf32> to vector<8x512xf32>
    %sub3A_585 = arith.subf %slice3A_580, %sub3A_584 : vector<8x512xf32>
    %gt3A_586 = arith.cmpf ogt, %sub3A_585, %max3A_546 : vector<8x512xf32>
    %jit3A_587 = arith.constant 4.800000e+01 : f32
    %broadcast_in_dim3A_588 = vector.broadcast %jit3A_587 : f32 to vector<8x512xf32>
    %select_n3A_589 = arith.select %gt3A_586, %broadcast_in_dim3A_588, %select_n3A_545 : vector<8x512xi1>, vector<8x512xf32>
    %max3A_590 = arith.maximumf %sub3A_585, %max3A_546 : vector<8x512xf32>
    %slice3A_591 = vector.extract_strided_slice %dot_general3A_42 {offsets = [392, 0], sizes = [8, 512], strides = [1, 1]} : vector<1024x512xf32> to vector<8x512xf32>
    %get3A_592 = arith.constant 392 : index
    %get3A_593 = arith.constant 0 : index
    %get3A_594 = vector.load %arg5[%get3A_592, %get3A_593] : memref<1024x1xf32, #tpu.memory_space<vmem>>, vector<8x1xf32>
    %sub3A_595 = vector.broadcast %get3A_594 : vector<8x1xf32> to vector<8x512xf32>
    %sub3A_596 = arith.subf %slice3A_591, %sub3A_595 : vector<8x512xf32>
    %gt3A_597 = arith.cmpf ogt, %sub3A_596, %max3A_557 : vector<8x512xf32>
    %jit3A_598 = arith.constant 4.900000e+01 : f32
    %broadcast_in_dim3A_599 = vector.broadcast %jit3A_598 : f32 to vector<8x512xf32>
    %select_n3A_600 = arith.select %gt3A_597, %broadcast_in_dim3A_599, %select_n3A_556 : vector<8x512xi1>, vector<8x512xf32>
    %max3A_601 = arith.maximumf %sub3A_596, %max3A_557 : vector<8x512xf32>
    %slice3A_602 = vector.extract_strided_slice %dot_general3A_42 {offsets = [400, 0], sizes = [8, 512], strides = [1, 1]} : vector<1024x512xf32> to vector<8x512xf32>
    %get3A_603 = arith.constant 400 : index
    %get3A_604 = arith.constant 0 : index
    %get3A_605 = vector.load %arg5[%get3A_603, %get3A_604] : memref<1024x1xf32, #tpu.memory_space<vmem>>, vector<8x1xf32>
    %sub3A_606 = vector.broadcast %get3A_605 : vector<8x1xf32> to vector<8x512xf32>
    %sub3A_607 = arith.subf %slice3A_602, %sub3A_606 : vector<8x512xf32>
    %gt3A_608 = arith.cmpf ogt, %sub3A_607, %max3A_568 : vector<8x512xf32>
    %jit3A_609 = arith.constant 5.000000e+01 : f32
    %broadcast_in_dim3A_610 = vector.broadcast %jit3A_609 : f32 to vector<8x512xf32>
    %select_n3A_611 = arith.select %gt3A_608, %broadcast_in_dim3A_610, %select_n3A_567 : vector<8x512xi1>, vector<8x512xf32>
    %max3A_612 = arith.maximumf %sub3A_607, %max3A_568 : vector<8x512xf32>
    %slice3A_613 = vector.extract_strided_slice %dot_general3A_42 {offsets = [408, 0], sizes = [8, 512], strides = [1, 1]} : vector<1024x512xf32> to vector<8x512xf32>
    %get3A_614 = arith.constant 408 : index
    %get3A_615 = arith.constant 0 : index
    %get3A_616 = vector.load %arg5[%get3A_614, %get3A_615] : memref<1024x1xf32, #tpu.memory_space<vmem>>, vector<8x1xf32>
    %sub3A_617 = vector.broadcast %get3A_616 : vector<8x1xf32> to vector<8x512xf32>
    %sub3A_618 = arith.subf %slice3A_613, %sub3A_617 : vector<8x512xf32>
    %gt3A_619 = arith.cmpf ogt, %sub3A_618, %max3A_579 : vector<8x512xf32>
    %jit3A_620 = arith.constant 5.100000e+01 : f32
    %broadcast_in_dim3A_621 = vector.broadcast %jit3A_620 : f32 to vector<8x512xf32>
    %select_n3A_622 = arith.select %gt3A_619, %broadcast_in_dim3A_621, %select_n3A_578 : vector<8x512xi1>, vector<8x512xf32>
    %max3A_623 = arith.maximumf %sub3A_618, %max3A_579 : vector<8x512xf32>
    %slice3A_624 = vector.extract_strided_slice %dot_general3A_42 {offsets = [416, 0], sizes = [8, 512], strides = [1, 1]} : vector<1024x512xf32> to vector<8x512xf32>
    %get3A_625 = arith.constant 416 : index
    %get3A_626 = arith.constant 0 : index
    %get3A_627 = vector.load %arg5[%get3A_625, %get3A_626] : memref<1024x1xf32, #tpu.memory_space<vmem>>, vector<8x1xf32>
    %sub3A_628 = vector.broadcast %get3A_627 : vector<8x1xf32> to vector<8x512xf32>
    %sub3A_629 = arith.subf %slice3A_624, %sub3A_628 : vector<8x512xf32>
    %gt3A_630 = arith.cmpf ogt, %sub3A_629, %max3A_590 : vector<8x512xf32>
    %jit3A_631 = arith.constant 5.200000e+01 : f32
    %broadcast_in_dim3A_632 = vector.broadcast %jit3A_631 : f32 to vector<8x512xf32>
    %select_n3A_633 = arith.select %gt3A_630, %broadcast_in_dim3A_632, %select_n3A_589 : vector<8x512xi1>, vector<8x512xf32>
    %max3A_634 = arith.maximumf %sub3A_629, %max3A_590 : vector<8x512xf32>
    %slice3A_635 = vector.extract_strided_slice %dot_general3A_42 {offsets = [424, 0], sizes = [8, 512], strides = [1, 1]} : vector<1024x512xf32> to vector<8x512xf32>
    %get3A_636 = arith.constant 424 : index
    %get3A_637 = arith.constant 0 : index
    %get3A_638 = vector.load %arg5[%get3A_636, %get3A_637] : memref<1024x1xf32, #tpu.memory_space<vmem>>, vector<8x1xf32>
    %sub3A_639 = vector.broadcast %get3A_638 : vector<8x1xf32> to vector<8x512xf32>
    %sub3A_640 = arith.subf %slice3A_635, %sub3A_639 : vector<8x512xf32>
    %gt3A_641 = arith.cmpf ogt, %sub3A_640, %max3A_601 : vector<8x512xf32>
    %jit3A_642 = arith.constant 5.300000e+01 : f32
    %broadcast_in_dim3A_643 = vector.broadcast %jit3A_642 : f32 to vector<8x512xf32>
    %select_n3A_644 = arith.select %gt3A_641, %broadcast_in_dim3A_643, %select_n3A_600 : vector<8x512xi1>, vector<8x512xf32>
    %max3A_645 = arith.maximumf %sub3A_640, %max3A_601 : vector<8x512xf32>
    %slice3A_646 = vector.extract_strided_slice %dot_general3A_42 {offsets = [432, 0], sizes = [8, 512], strides = [1, 1]} : vector<1024x512xf32> to vector<8x512xf32>
    %get3A_647 = arith.constant 432 : index
    %get3A_648 = arith.constant 0 : index
    %get3A_649 = vector.load %arg5[%get3A_647, %get3A_648] : memref<1024x1xf32, #tpu.memory_space<vmem>>, vector<8x1xf32>
    %sub3A_650 = vector.broadcast %get3A_649 : vector<8x1xf32> to vector<8x512xf32>
    %sub3A_651 = arith.subf %slice3A_646, %sub3A_650 : vector<8x512xf32>
    %gt3A_652 = arith.cmpf ogt, %sub3A_651, %max3A_612 : vector<8x512xf32>
    %jit3A_653 = arith.constant 5.400000e+01 : f32
    %broadcast_in_dim3A_654 = vector.broadcast %jit3A_653 : f32 to vector<8x512xf32>
    %select_n3A_655 = arith.select %gt3A_652, %broadcast_in_dim3A_654, %select_n3A_611 : vector<8x512xi1>, vector<8x512xf32>
    %max3A_656 = arith.maximumf %sub3A_651, %max3A_612 : vector<8x512xf32>
    %slice3A_657 = vector.extract_strided_slice %dot_general3A_42 {offsets = [440, 0], sizes = [8, 512], strides = [1, 1]} : vector<1024x512xf32> to vector<8x512xf32>
    %get3A_658 = arith.constant 440 : index
    %get3A_659 = arith.constant 0 : index
    %get3A_660 = vector.load %arg5[%get3A_658, %get3A_659] : memref<1024x1xf32, #tpu.memory_space<vmem>>, vector<8x1xf32>
    %sub3A_661 = vector.broadcast %get3A_660 : vector<8x1xf32> to vector<8x512xf32>
    %sub3A_662 = arith.subf %slice3A_657, %sub3A_661 : vector<8x512xf32>
    %gt3A_663 = arith.cmpf ogt, %sub3A_662, %max3A_623 : vector<8x512xf32>
    %jit3A_664 = arith.constant 5.500000e+01 : f32
    %broadcast_in_dim3A_665 = vector.broadcast %jit3A_664 : f32 to vector<8x512xf32>
    %select_n3A_666 = arith.select %gt3A_663, %broadcast_in_dim3A_665, %select_n3A_622 : vector<8x512xi1>, vector<8x512xf32>
    %max3A_667 = arith.maximumf %sub3A_662, %max3A_623 : vector<8x512xf32>
    %slice3A_668 = vector.extract_strided_slice %dot_general3A_42 {offsets = [448, 0], sizes = [8, 512], strides = [1, 1]} : vector<1024x512xf32> to vector<8x512xf32>
    %get3A_669 = arith.constant 448 : index
    %get3A_670 = arith.constant 0 : index
    %get3A_671 = vector.load %arg5[%get3A_669, %get3A_670] : memref<1024x1xf32, #tpu.memory_space<vmem>>, vector<8x1xf32>
    %sub3A_672 = vector.broadcast %get3A_671 : vector<8x1xf32> to vector<8x512xf32>
    %sub3A_673 = arith.subf %slice3A_668, %sub3A_672 : vector<8x512xf32>
    %gt3A_674 = arith.cmpf ogt, %sub3A_673, %max3A_634 : vector<8x512xf32>
    %jit3A_675 = arith.constant 5.600000e+01 : f32
    %broadcast_in_dim3A_676 = vector.broadcast %jit3A_675 : f32 to vector<8x512xf32>
    %select_n3A_677 = arith.select %gt3A_674, %broadcast_in_dim3A_676, %select_n3A_633 : vector<8x512xi1>, vector<8x512xf32>
    %max3A_678 = arith.maximumf %sub3A_673, %max3A_634 : vector<8x512xf32>
    %slice3A_679 = vector.extract_strided_slice %dot_general3A_42 {offsets = [456, 0], sizes = [8, 512], strides = [1, 1]} : vector<1024x512xf32> to vector<8x512xf32>
    %get3A_680 = arith.constant 456 : index
    %get3A_681 = arith.constant 0 : index
    %get3A_682 = vector.load %arg5[%get3A_680, %get3A_681] : memref<1024x1xf32, #tpu.memory_space<vmem>>, vector<8x1xf32>
    %sub3A_683 = vector.broadcast %get3A_682 : vector<8x1xf32> to vector<8x512xf32>
    %sub3A_684 = arith.subf %slice3A_679, %sub3A_683 : vector<8x512xf32>
    %gt3A_685 = arith.cmpf ogt, %sub3A_684, %max3A_645 : vector<8x512xf32>
    %jit3A_686 = arith.constant 5.700000e+01 : f32
    %broadcast_in_dim3A_687 = vector.broadcast %jit3A_686 : f32 to vector<8x512xf32>
    %select_n3A_688 = arith.select %gt3A_685, %broadcast_in_dim3A_687, %select_n3A_644 : vector<8x512xi1>, vector<8x512xf32>
    %max3A_689 = arith.maximumf %sub3A_684, %max3A_645 : vector<8x512xf32>
    %slice3A_690 = vector.extract_strided_slice %dot_general3A_42 {offsets = [464, 0], sizes = [8, 512], strides = [1, 1]} : vector<1024x512xf32> to vector<8x512xf32>
    %get3A_691 = arith.constant 464 : index
    %get3A_692 = arith.constant 0 : index
    %get3A_693 = vector.load %arg5[%get3A_691, %get3A_692] : memref<1024x1xf32, #tpu.memory_space<vmem>>, vector<8x1xf32>
    %sub3A_694 = vector.broadcast %get3A_693 : vector<8x1xf32> to vector<8x512xf32>
    %sub3A_695 = arith.subf %slice3A_690, %sub3A_694 : vector<8x512xf32>
    %gt3A_696 = arith.cmpf ogt, %sub3A_695, %max3A_656 : vector<8x512xf32>
    %jit3A_697 = arith.constant 5.800000e+01 : f32
    %broadcast_in_dim3A_698 = vector.broadcast %jit3A_697 : f32 to vector<8x512xf32>
    %select_n3A_699 = arith.select %gt3A_696, %broadcast_in_dim3A_698, %select_n3A_655 : vector<8x512xi1>, vector<8x512xf32>
    %max3A_700 = arith.maximumf %sub3A_695, %max3A_656 : vector<8x512xf32>
    %slice3A_701 = vector.extract_strided_slice %dot_general3A_42 {offsets = [472, 0], sizes = [8, 512], strides = [1, 1]} : vector<1024x512xf32> to vector<8x512xf32>
    %get3A_702 = arith.constant 472 : index
    %get3A_703 = arith.constant 0 : index
    %get3A_704 = vector.load %arg5[%get3A_702, %get3A_703] : memref<1024x1xf32, #tpu.memory_space<vmem>>, vector<8x1xf32>
    %sub3A_705 = vector.broadcast %get3A_704 : vector<8x1xf32> to vector<8x512xf32>
    %sub3A_706 = arith.subf %slice3A_701, %sub3A_705 : vector<8x512xf32>
    %gt3A_707 = arith.cmpf ogt, %sub3A_706, %max3A_667 : vector<8x512xf32>
    %jit3A_708 = arith.constant 5.900000e+01 : f32
    %broadcast_in_dim3A_709 = vector.broadcast %jit3A_708 : f32 to vector<8x512xf32>
    %select_n3A_710 = arith.select %gt3A_707, %broadcast_in_dim3A_709, %select_n3A_666 : vector<8x512xi1>, vector<8x512xf32>
    %max3A_711 = arith.maximumf %sub3A_706, %max3A_667 : vector<8x512xf32>
    %slice3A_712 = vector.extract_strided_slice %dot_general3A_42 {offsets = [480, 0], sizes = [8, 512], strides = [1, 1]} : vector<1024x512xf32> to vector<8x512xf32>
    %get3A_713 = arith.constant 480 : index
    %get3A_714 = arith.constant 0 : index
    %get3A_715 = vector.load %arg5[%get3A_713, %get3A_714] : memref<1024x1xf32, #tpu.memory_space<vmem>>, vector<8x1xf32>
    %sub3A_716 = vector.broadcast %get3A_715 : vector<8x1xf32> to vector<8x512xf32>
    %sub3A_717 = arith.subf %slice3A_712, %sub3A_716 : vector<8x512xf32>
    %gt3A_718 = arith.cmpf ogt, %sub3A_717, %max3A_678 : vector<8x512xf32>
    %jit3A_719 = arith.constant 6.000000e+01 : f32
    %broadcast_in_dim3A_720 = vector.broadcast %jit3A_719 : f32 to vector<8x512xf32>
    %select_n3A_721 = arith.select %gt3A_718, %broadcast_in_dim3A_720, %select_n3A_677 : vector<8x512xi1>, vector<8x512xf32>
    %max3A_722 = arith.maximumf %sub3A_717, %max3A_678 : vector<8x512xf32>
    %slice3A_723 = vector.extract_strided_slice %dot_general3A_42 {offsets = [488, 0], sizes = [8, 512], strides = [1, 1]} : vector<1024x512xf32> to vector<8x512xf32>
    %get3A_724 = arith.constant 488 : index
    %get3A_725 = arith.constant 0 : index
    %get3A_726 = vector.load %arg5[%get3A_724, %get3A_725] : memref<1024x1xf32, #tpu.memory_space<vmem>>, vector<8x1xf32>
    %sub3A_727 = vector.broadcast %get3A_726 : vector<8x1xf32> to vector<8x512xf32>
    %sub3A_728 = arith.subf %slice3A_723, %sub3A_727 : vector<8x512xf32>
    %gt3A_729 = arith.cmpf ogt, %sub3A_728, %max3A_689 : vector<8x512xf32>
    %jit3A_730 = arith.constant 6.100000e+01 : f32
    %broadcast_in_dim3A_731 = vector.broadcast %jit3A_730 : f32 to vector<8x512xf32>
    %select_n3A_732 = arith.select %gt3A_729, %broadcast_in_dim3A_731, %select_n3A_688 : vector<8x512xi1>, vector<8x512xf32>
    %max3A_733 = arith.maximumf %sub3A_728, %max3A_689 : vector<8x512xf32>
    %slice3A_734 = vector.extract_strided_slice %dot_general3A_42 {offsets = [496, 0], sizes = [8, 512], strides = [1, 1]} : vector<1024x512xf32> to vector<8x512xf32>
    %get3A_735 = arith.constant 496 : index
    %get3A_736 = arith.constant 0 : index
    %get3A_737 = vector.load %arg5[%get3A_735, %get3A_736] : memref<1024x1xf32, #tpu.memory_space<vmem>>, vector<8x1xf32>
    %sub3A_738 = vector.broadcast %get3A_737 : vector<8x1xf32> to vector<8x512xf32>
    %sub3A_739 = arith.subf %slice3A_734, %sub3A_738 : vector<8x512xf32>
    %gt3A_740 = arith.cmpf ogt, %sub3A_739, %max3A_700 : vector<8x512xf32>
    %jit3A_741 = arith.constant 6.200000e+01 : f32
    %broadcast_in_dim3A_742 = vector.broadcast %jit3A_741 : f32 to vector<8x512xf32>
    %select_n3A_743 = arith.select %gt3A_740, %broadcast_in_dim3A_742, %select_n3A_699 : vector<8x512xi1>, vector<8x512xf32>
    %max3A_744 = arith.maximumf %sub3A_739, %max3A_700 : vector<8x512xf32>
    %slice3A_745 = vector.extract_strided_slice %dot_general3A_42 {offsets = [504, 0], sizes = [8, 512], strides = [1, 1]} : vector<1024x512xf32> to vector<8x512xf32>
    %get3A_746 = arith.constant 504 : index
    %get3A_747 = arith.constant 0 : index
    %get3A_748 = vector.load %arg5[%get3A_746, %get3A_747] : memref<1024x1xf32, #tpu.memory_space<vmem>>, vector<8x1xf32>
    %sub3A_749 = vector.broadcast %get3A_748 : vector<8x1xf32> to vector<8x512xf32>
    %sub3A_750 = arith.subf %slice3A_745, %sub3A_749 : vector<8x512xf32>
    %gt3A_751 = arith.cmpf ogt, %sub3A_750, %max3A_711 : vector<8x512xf32>
    %jit3A_752 = arith.constant 6.300000e+01 : f32
    %broadcast_in_dim3A_753 = vector.broadcast %jit3A_752 : f32 to vector<8x512xf32>
    %select_n3A_754 = arith.select %gt3A_751, %broadcast_in_dim3A_753, %select_n3A_710 : vector<8x512xi1>, vector<8x512xf32>
    %max3A_755 = arith.maximumf %sub3A_750, %max3A_711 : vector<8x512xf32>
    %slice3A_756 = vector.extract_strided_slice %dot_general3A_42 {offsets = [512, 0], sizes = [8, 512], strides = [1, 1]} : vector<1024x512xf32> to vector<8x512xf32>
    %get3A_757 = arith.constant 512 : index
    %get3A_758 = arith.constant 0 : index
    %get3A_759 = vector.load %arg5[%get3A_757, %get3A_758] : memref<1024x1xf32, #tpu.memory_space<vmem>>, vector<8x1xf32>
    %sub3A_760 = vector.broadcast %get3A_759 : vector<8x1xf32> to vector<8x512xf32>
    %sub3A_761 = arith.subf %slice3A_756, %sub3A_760 : vector<8x512xf32>
    %gt3A_762 = arith.cmpf ogt, %sub3A_761, %max3A_722 : vector<8x512xf32>
    %jit3A_763 = arith.constant 6.400000e+01 : f32
    %broadcast_in_dim3A_764 = vector.broadcast %jit3A_763 : f32 to vector<8x512xf32>
    %select_n3A_765 = arith.select %gt3A_762, %broadcast_in_dim3A_764, %select_n3A_721 : vector<8x512xi1>, vector<8x512xf32>
    %max3A_766 = arith.maximumf %sub3A_761, %max3A_722 : vector<8x512xf32>
    %slice3A_767 = vector.extract_strided_slice %dot_general3A_42 {offsets = [520, 0], sizes = [8, 512], strides = [1, 1]} : vector<1024x512xf32> to vector<8x512xf32>
    %get3A_768 = arith.constant 520 : index
    %get3A_769 = arith.constant 0 : index
    %get3A_770 = vector.load %arg5[%get3A_768, %get3A_769] : memref<1024x1xf32, #tpu.memory_space<vmem>>, vector<8x1xf32>
    %sub3A_771 = vector.broadcast %get3A_770 : vector<8x1xf32> to vector<8x512xf32>
    %sub3A_772 = arith.subf %slice3A_767, %sub3A_771 : vector<8x512xf32>
    %gt3A_773 = arith.cmpf ogt, %sub3A_772, %max3A_733 : vector<8x512xf32>
    %jit3A_774 = arith.constant 6.500000e+01 : f32
    %broadcast_in_dim3A_775 = vector.broadcast %jit3A_774 : f32 to vector<8x512xf32>
    %select_n3A_776 = arith.select %gt3A_773, %broadcast_in_dim3A_775, %select_n3A_732 : vector<8x512xi1>, vector<8x512xf32>
    %max3A_777 = arith.maximumf %sub3A_772, %max3A_733 : vector<8x512xf32>
    %slice3A_778 = vector.extract_strided_slice %dot_general3A_42 {offsets = [528, 0], sizes = [8, 512], strides = [1, 1]} : vector<1024x512xf32> to vector<8x512xf32>
    %get3A_779 = arith.constant 528 : index
    %get3A_780 = arith.constant 0 : index
    %get3A_781 = vector.load %arg5[%get3A_779, %get3A_780] : memref<1024x1xf32, #tpu.memory_space<vmem>>, vector<8x1xf32>
    %sub3A_782 = vector.broadcast %get3A_781 : vector<8x1xf32> to vector<8x512xf32>
    %sub3A_783 = arith.subf %slice3A_778, %sub3A_782 : vector<8x512xf32>
    %gt3A_784 = arith.cmpf ogt, %sub3A_783, %max3A_744 : vector<8x512xf32>
    %jit3A_785 = arith.constant 6.600000e+01 : f32
    %broadcast_in_dim3A_786 = vector.broadcast %jit3A_785 : f32 to vector<8x512xf32>
    %select_n3A_787 = arith.select %gt3A_784, %broadcast_in_dim3A_786, %select_n3A_743 : vector<8x512xi1>, vector<8x512xf32>
    %max3A_788 = arith.maximumf %sub3A_783, %max3A_744 : vector<8x512xf32>
    %slice3A_789 = vector.extract_strided_slice %dot_general3A_42 {offsets = [536, 0], sizes = [8, 512], strides = [1, 1]} : vector<1024x512xf32> to vector<8x512xf32>
    %get3A_790 = arith.constant 536 : index
    %get3A_791 = arith.constant 0 : index
    %get3A_792 = vector.load %arg5[%get3A_790, %get3A_791] : memref<1024x1xf32, #tpu.memory_space<vmem>>, vector<8x1xf32>
    %sub3A_793 = vector.broadcast %get3A_792 : vector<8x1xf32> to vector<8x512xf32>
    %sub3A_794 = arith.subf %slice3A_789, %sub3A_793 : vector<8x512xf32>
    %gt3A_795 = arith.cmpf ogt, %sub3A_794, %max3A_755 : vector<8x512xf32>
    %jit3A_796 = arith.constant 6.700000e+01 : f32
    %broadcast_in_dim3A_797 = vector.broadcast %jit3A_796 : f32 to vector<8x512xf32>
    %select_n3A_798 = arith.select %gt3A_795, %broadcast_in_dim3A_797, %select_n3A_754 : vector<8x512xi1>, vector<8x512xf32>
    %max3A_799 = arith.maximumf %sub3A_794, %max3A_755 : vector<8x512xf32>
    %slice3A_800 = vector.extract_strided_slice %dot_general3A_42 {offsets = [544, 0], sizes = [8, 512], strides = [1, 1]} : vector<1024x512xf32> to vector<8x512xf32>
    %get3A_801 = arith.constant 544 : index
    %get3A_802 = arith.constant 0 : index
    %get3A_803 = vector.load %arg5[%get3A_801, %get3A_802] : memref<1024x1xf32, #tpu.memory_space<vmem>>, vector<8x1xf32>
    %sub3A_804 = vector.broadcast %get3A_803 : vector<8x1xf32> to vector<8x512xf32>
    %sub3A_805 = arith.subf %slice3A_800, %sub3A_804 : vector<8x512xf32>
    %gt3A_806 = arith.cmpf ogt, %sub3A_805, %max3A_766 : vector<8x512xf32>
    %jit3A_807 = arith.constant 6.800000e+01 : f32
    %broadcast_in_dim3A_808 = vector.broadcast %jit3A_807 : f32 to vector<8x512xf32>
    %select_n3A_809 = arith.select %gt3A_806, %broadcast_in_dim3A_808, %select_n3A_765 : vector<8x512xi1>, vector<8x512xf32>
    %max3A_810 = arith.maximumf %sub3A_805, %max3A_766 : vector<8x512xf32>
    %slice3A_811 = vector.extract_strided_slice %dot_general3A_42 {offsets = [552, 0], sizes = [8, 512], strides = [1, 1]} : vector<1024x512xf32> to vector<8x512xf32>
    %get3A_812 = arith.constant 552 : index
    %get3A_813 = arith.constant 0 : index
    %get3A_814 = vector.load %arg5[%get3A_812, %get3A_813] : memref<1024x1xf32, #tpu.memory_space<vmem>>, vector<8x1xf32>
    %sub3A_815 = vector.broadcast %get3A_814 : vector<8x1xf32> to vector<8x512xf32>
    %sub3A_816 = arith.subf %slice3A_811, %sub3A_815 : vector<8x512xf32>
    %gt3A_817 = arith.cmpf ogt, %sub3A_816, %max3A_777 : vector<8x512xf32>
    %jit3A_818 = arith.constant 6.900000e+01 : f32
    %broadcast_in_dim3A_819 = vector.broadcast %jit3A_818 : f32 to vector<8x512xf32>
    %select_n3A_820 = arith.select %gt3A_817, %broadcast_in_dim3A_819, %select_n3A_776 : vector<8x512xi1>, vector<8x512xf32>
    %max3A_821 = arith.maximumf %sub3A_816, %max3A_777 : vector<8x512xf32>
    %slice3A_822 = vector.extract_strided_slice %dot_general3A_42 {offsets = [560, 0], sizes = [8, 512], strides = [1, 1]} : vector<1024x512xf32> to vector<8x512xf32>
    %get3A_823 = arith.constant 560 : index
    %get3A_824 = arith.constant 0 : index
    %get3A_825 = vector.load %arg5[%get3A_823, %get3A_824] : memref<1024x1xf32, #tpu.memory_space<vmem>>, vector<8x1xf32>
    %sub3A_826 = vector.broadcast %get3A_825 : vector<8x1xf32> to vector<8x512xf32>
    %sub3A_827 = arith.subf %slice3A_822, %sub3A_826 : vector<8x512xf32>
    %gt3A_828 = arith.cmpf ogt, %sub3A_827, %max3A_788 : vector<8x512xf32>
    %jit3A_829 = arith.constant 7.000000e+01 : f32
    %broadcast_in_dim3A_830 = vector.broadcast %jit3A_829 : f32 to vector<8x512xf32>
    %select_n3A_831 = arith.select %gt3A_828, %broadcast_in_dim3A_830, %select_n3A_787 : vector<8x512xi1>, vector<8x512xf32>
    %max3A_832 = arith.maximumf %sub3A_827, %max3A_788 : vector<8x512xf32>
    %slice3A_833 = vector.extract_strided_slice %dot_general3A_42 {offsets = [568, 0], sizes = [8, 512], strides = [1, 1]} : vector<1024x512xf32> to vector<8x512xf32>
    %get3A_834 = arith.constant 568 : index
    %get3A_835 = arith.constant 0 : index
    %get3A_836 = vector.load %arg5[%get3A_834, %get3A_835] : memref<1024x1xf32, #tpu.memory_space<vmem>>, vector<8x1xf32>
    %sub3A_837 = vector.broadcast %get3A_836 : vector<8x1xf32> to vector<8x512xf32>
    %sub3A_838 = arith.subf %slice3A_833, %sub3A_837 : vector<8x512xf32>
    %gt3A_839 = arith.cmpf ogt, %sub3A_838, %max3A_799 : vector<8x512xf32>
    %jit3A_840 = arith.constant 7.100000e+01 : f32
    %broadcast_in_dim3A_841 = vector.broadcast %jit3A_840 : f32 to vector<8x512xf32>
    %select_n3A_842 = arith.select %gt3A_839, %broadcast_in_dim3A_841, %select_n3A_798 : vector<8x512xi1>, vector<8x512xf32>
    %max3A_843 = arith.maximumf %sub3A_838, %max3A_799 : vector<8x512xf32>
    %slice3A_844 = vector.extract_strided_slice %dot_general3A_42 {offsets = [576, 0], sizes = [8, 512], strides = [1, 1]} : vector<1024x512xf32> to vector<8x512xf32>
    %get3A_845 = arith.constant 576 : index
    %get3A_846 = arith.constant 0 : index
    %get3A_847 = vector.load %arg5[%get3A_845, %get3A_846] : memref<1024x1xf32, #tpu.memory_space<vmem>>, vector<8x1xf32>
    %sub3A_848 = vector.broadcast %get3A_847 : vector<8x1xf32> to vector<8x512xf32>
    %sub3A_849 = arith.subf %slice3A_844, %sub3A_848 : vector<8x512xf32>
    %gt3A_850 = arith.cmpf ogt, %sub3A_849, %max3A_810 : vector<8x512xf32>
    %jit3A_851 = arith.constant 7.200000e+01 : f32
    %broadcast_in_dim3A_852 = vector.broadcast %jit3A_851 : f32 to vector<8x512xf32>
    %select_n3A_853 = arith.select %gt3A_850, %broadcast_in_dim3A_852, %select_n3A_809 : vector<8x512xi1>, vector<8x512xf32>
    %max3A_854 = arith.maximumf %sub3A_849, %max3A_810 : vector<8x512xf32>
    %slice3A_855 = vector.extract_strided_slice %dot_general3A_42 {offsets = [584, 0], sizes = [8, 512], strides = [1, 1]} : vector<1024x512xf32> to vector<8x512xf32>
    %get3A_856 = arith.constant 584 : index
    %get3A_857 = arith.constant 0 : index
    %get3A_858 = vector.load %arg5[%get3A_856, %get3A_857] : memref<1024x1xf32, #tpu.memory_space<vmem>>, vector<8x1xf32>
    %sub3A_859 = vector.broadcast %get3A_858 : vector<8x1xf32> to vector<8x512xf32>
    %sub3A_860 = arith.subf %slice3A_855, %sub3A_859 : vector<8x512xf32>
    %gt3A_861 = arith.cmpf ogt, %sub3A_860, %max3A_821 : vector<8x512xf32>
    %jit3A_862 = arith.constant 7.300000e+01 : f32
    %broadcast_in_dim3A_863 = vector.broadcast %jit3A_862 : f32 to vector<8x512xf32>
    %select_n3A_864 = arith.select %gt3A_861, %broadcast_in_dim3A_863, %select_n3A_820 : vector<8x512xi1>, vector<8x512xf32>
    %max3A_865 = arith.maximumf %sub3A_860, %max3A_821 : vector<8x512xf32>
    %slice3A_866 = vector.extract_strided_slice %dot_general3A_42 {offsets = [592, 0], sizes = [8, 512], strides = [1, 1]} : vector<1024x512xf32> to vector<8x512xf32>
    %get3A_867 = arith.constant 592 : index
    %get3A_868 = arith.constant 0 : index
    %get3A_869 = vector.load %arg5[%get3A_867, %get3A_868] : memref<1024x1xf32, #tpu.memory_space<vmem>>, vector<8x1xf32>
    %sub3A_870 = vector.broadcast %get3A_869 : vector<8x1xf32> to vector<8x512xf32>
    %sub3A_871 = arith.subf %slice3A_866, %sub3A_870 : vector<8x512xf32>
    %gt3A_872 = arith.cmpf ogt, %sub3A_871, %max3A_832 : vector<8x512xf32>
    %jit3A_873 = arith.constant 7.400000e+01 : f32
    %broadcast_in_dim3A_874 = vector.broadcast %jit3A_873 : f32 to vector<8x512xf32>
    %select_n3A_875 = arith.select %gt3A_872, %broadcast_in_dim3A_874, %select_n3A_831 : vector<8x512xi1>, vector<8x512xf32>
    %max3A_876 = arith.maximumf %sub3A_871, %max3A_832 : vector<8x512xf32>
    %slice3A_877 = vector.extract_strided_slice %dot_general3A_42 {offsets = [600, 0], sizes = [8, 512], strides = [1, 1]} : vector<1024x512xf32> to vector<8x512xf32>
    %get3A_878 = arith.constant 600 : index
    %get3A_879 = arith.constant 0 : index
    %get3A_880 = vector.load %arg5[%get3A_878, %get3A_879] : memref<1024x1xf32, #tpu.memory_space<vmem>>, vector<8x1xf32>
    %sub3A_881 = vector.broadcast %get3A_880 : vector<8x1xf32> to vector<8x512xf32>
    %sub3A_882 = arith.subf %slice3A_877, %sub3A_881 : vector<8x512xf32>
    %gt3A_883 = arith.cmpf ogt, %sub3A_882, %max3A_843 : vector<8x512xf32>
    %jit3A_884 = arith.constant 7.500000e+01 : f32
    %broadcast_in_dim3A_885 = vector.broadcast %jit3A_884 : f32 to vector<8x512xf32>
    %select_n3A_886 = arith.select %gt3A_883, %broadcast_in_dim3A_885, %select_n3A_842 : vector<8x512xi1>, vector<8x512xf32>
    %max3A_887 = arith.maximumf %sub3A_882, %max3A_843 : vector<8x512xf32>
    %slice3A_888 = vector.extract_strided_slice %dot_general3A_42 {offsets = [608, 0], sizes = [8, 512], strides = [1, 1]} : vector<1024x512xf32> to vector<8x512xf32>
    %get3A_889 = arith.constant 608 : index
    %get3A_890 = arith.constant 0 : index
    %get3A_891 = vector.load %arg5[%get3A_889, %get3A_890] : memref<1024x1xf32, #tpu.memory_space<vmem>>, vector<8x1xf32>
    %sub3A_892 = vector.broadcast %get3A_891 : vector<8x1xf32> to vector<8x512xf32>
    %sub3A_893 = arith.subf %slice3A_888, %sub3A_892 : vector<8x512xf32>
    %gt3A_894 = arith.cmpf ogt, %sub3A_893, %max3A_854 : vector<8x512xf32>
    %jit3A_895 = arith.constant 7.600000e+01 : f32
    %broadcast_in_dim3A_896 = vector.broadcast %jit3A_895 : f32 to vector<8x512xf32>
    %select_n3A_897 = arith.select %gt3A_894, %broadcast_in_dim3A_896, %select_n3A_853 : vector<8x512xi1>, vector<8x512xf32>
    %max3A_898 = arith.maximumf %sub3A_893, %max3A_854 : vector<8x512xf32>
    %slice3A_899 = vector.extract_strided_slice %dot_general3A_42 {offsets = [616, 0], sizes = [8, 512], strides = [1, 1]} : vector<1024x512xf32> to vector<8x512xf32>
    %get3A_900 = arith.constant 616 : index
    %get3A_901 = arith.constant 0 : index
    %get3A_902 = vector.load %arg5[%get3A_900, %get3A_901] : memref<1024x1xf32, #tpu.memory_space<vmem>>, vector<8x1xf32>
    %sub3A_903 = vector.broadcast %get3A_902 : vector<8x1xf32> to vector<8x512xf32>
    %sub3A_904 = arith.subf %slice3A_899, %sub3A_903 : vector<8x512xf32>
    %gt3A_905 = arith.cmpf ogt, %sub3A_904, %max3A_865 : vector<8x512xf32>
    %jit3A_906 = arith.constant 7.700000e+01 : f32
    %broadcast_in_dim3A_907 = vector.broadcast %jit3A_906 : f32 to vector<8x512xf32>
    %select_n3A_908 = arith.select %gt3A_905, %broadcast_in_dim3A_907, %select_n3A_864 : vector<8x512xi1>, vector<8x512xf32>
    %max3A_909 = arith.maximumf %sub3A_904, %max3A_865 : vector<8x512xf32>
    %slice3A_910 = vector.extract_strided_slice %dot_general3A_42 {offsets = [624, 0], sizes = [8, 512], strides = [1, 1]} : vector<1024x512xf32> to vector<8x512xf32>
    %get3A_911 = arith.constant 624 : index
    %get3A_912 = arith.constant 0 : index
    %get3A_913 = vector.load %arg5[%get3A_911, %get3A_912] : memref<1024x1xf32, #tpu.memory_space<vmem>>, vector<8x1xf32>
    %sub3A_914 = vector.broadcast %get3A_913 : vector<8x1xf32> to vector<8x512xf32>
    %sub3A_915 = arith.subf %slice3A_910, %sub3A_914 : vector<8x512xf32>
    %gt3A_916 = arith.cmpf ogt, %sub3A_915, %max3A_876 : vector<8x512xf32>
    %jit3A_917 = arith.constant 7.800000e+01 : f32
    %broadcast_in_dim3A_918 = vector.broadcast %jit3A_917 : f32 to vector<8x512xf32>
    %select_n3A_919 = arith.select %gt3A_916, %broadcast_in_dim3A_918, %select_n3A_875 : vector<8x512xi1>, vector<8x512xf32>
    %max3A_920 = arith.maximumf %sub3A_915, %max3A_876 : vector<8x512xf32>
    %slice3A_921 = vector.extract_strided_slice %dot_general3A_42 {offsets = [632, 0], sizes = [8, 512], strides = [1, 1]} : vector<1024x512xf32> to vector<8x512xf32>
    %get3A_922 = arith.constant 632 : index
    %get3A_923 = arith.constant 0 : index
    %get3A_924 = vector.load %arg5[%get3A_922, %get3A_923] : memref<1024x1xf32, #tpu.memory_space<vmem>>, vector<8x1xf32>
    %sub3A_925 = vector.broadcast %get3A_924 : vector<8x1xf32> to vector<8x512xf32>
    %sub3A_926 = arith.subf %slice3A_921, %sub3A_925 : vector<8x512xf32>
    %gt3A_927 = arith.cmpf ogt, %sub3A_926, %max3A_887 : vector<8x512xf32>
    %jit3A_928 = arith.constant 7.900000e+01 : f32
    %broadcast_in_dim3A_929 = vector.broadcast %jit3A_928 : f32 to vector<8x512xf32>
    %select_n3A_930 = arith.select %gt3A_927, %broadcast_in_dim3A_929, %select_n3A_886 : vector<8x512xi1>, vector<8x512xf32>
    %max3A_931 = arith.maximumf %sub3A_926, %max3A_887 : vector<8x512xf32>
    %slice3A_932 = vector.extract_strided_slice %dot_general3A_42 {offsets = [640, 0], sizes = [8, 512], strides = [1, 1]} : vector<1024x512xf32> to vector<8x512xf32>
    %get3A_933 = arith.constant 640 : index
    %get3A_934 = arith.constant 0 : index
    %get3A_935 = vector.load %arg5[%get3A_933, %get3A_934] : memref<1024x1xf32, #tpu.memory_space<vmem>>, vector<8x1xf32>
    %sub3A_936 = vector.broadcast %get3A_935 : vector<8x1xf32> to vector<8x512xf32>
    %sub3A_937 = arith.subf %slice3A_932, %sub3A_936 : vector<8x512xf32>
    %gt3A_938 = arith.cmpf ogt, %sub3A_937, %max3A_898 : vector<8x512xf32>
    %jit3A_939 = arith.constant 8.000000e+01 : f32
    %broadcast_in_dim3A_940 = vector.broadcast %jit3A_939 : f32 to vector<8x512xf32>
    %select_n3A_941 = arith.select %gt3A_938, %broadcast_in_dim3A_940, %select_n3A_897 : vector<8x512xi1>, vector<8x512xf32>
    %max3A_942 = arith.maximumf %sub3A_937, %max3A_898 : vector<8x512xf32>
    %slice3A_943 = vector.extract_strided_slice %dot_general3A_42 {offsets = [648, 0], sizes = [8, 512], strides = [1, 1]} : vector<1024x512xf32> to vector<8x512xf32>
    %get3A_944 = arith.constant 648 : index
    %get3A_945 = arith.constant 0 : index
    %get3A_946 = vector.load %arg5[%get3A_944, %get3A_945] : memref<1024x1xf32, #tpu.memory_space<vmem>>, vector<8x1xf32>
    %sub3A_947 = vector.broadcast %get3A_946 : vector<8x1xf32> to vector<8x512xf32>
    %sub3A_948 = arith.subf %slice3A_943, %sub3A_947 : vector<8x512xf32>
    %gt3A_949 = arith.cmpf ogt, %sub3A_948, %max3A_909 : vector<8x512xf32>
    %jit3A_950 = arith.constant 8.100000e+01 : f32
    %broadcast_in_dim3A_951 = vector.broadcast %jit3A_950 : f32 to vector<8x512xf32>
    %select_n3A_952 = arith.select %gt3A_949, %broadcast_in_dim3A_951, %select_n3A_908 : vector<8x512xi1>, vector<8x512xf32>
    %max3A_953 = arith.maximumf %sub3A_948, %max3A_909 : vector<8x512xf32>
    %slice3A_954 = vector.extract_strided_slice %dot_general3A_42 {offsets = [656, 0], sizes = [8, 512], strides = [1, 1]} : vector<1024x512xf32> to vector<8x512xf32>
    %get3A_955 = arith.constant 656 : index
    %get3A_956 = arith.constant 0 : index
    %get3A_957 = vector.load %arg5[%get3A_955, %get3A_956] : memref<1024x1xf32, #tpu.memory_space<vmem>>, vector<8x1xf32>
    %sub3A_958 = vector.broadcast %get3A_957 : vector<8x1xf32> to vector<8x512xf32>
    %sub3A_959 = arith.subf %slice3A_954, %sub3A_958 : vector<8x512xf32>
    %gt3A_960 = arith.cmpf ogt, %sub3A_959, %max3A_920 : vector<8x512xf32>
    %jit3A_961 = arith.constant 8.200000e+01 : f32
    %broadcast_in_dim3A_962 = vector.broadcast %jit3A_961 : f32 to vector<8x512xf32>
    %select_n3A_963 = arith.select %gt3A_960, %broadcast_in_dim3A_962, %select_n3A_919 : vector<8x512xi1>, vector<8x512xf32>
    %max3A_964 = arith.maximumf %sub3A_959, %max3A_920 : vector<8x512xf32>
    %slice3A_965 = vector.extract_strided_slice %dot_general3A_42 {offsets = [664, 0], sizes = [8, 512], strides = [1, 1]} : vector<1024x512xf32> to vector<8x512xf32>
    %get3A_966 = arith.constant 664 : index
    %get3A_967 = arith.constant 0 : index
    %get3A_968 = vector.load %arg5[%get3A_966, %get3A_967] : memref<1024x1xf32, #tpu.memory_space<vmem>>, vector<8x1xf32>
    %sub3A_969 = vector.broadcast %get3A_968 : vector<8x1xf32> to vector<8x512xf32>
    %sub3A_970 = arith.subf %slice3A_965, %sub3A_969 : vector<8x512xf32>
    %gt3A_971 = arith.cmpf ogt, %sub3A_970, %max3A_931 : vector<8x512xf32>
    %jit3A_972 = arith.constant 8.300000e+01 : f32
    %broadcast_in_dim3A_973 = vector.broadcast %jit3A_972 : f32 to vector<8x512xf32>
    %select_n3A_974 = arith.select %gt3A_971, %broadcast_in_dim3A_973, %select_n3A_930 : vector<8x512xi1>, vector<8x512xf32>
    %max3A_975 = arith.maximumf %sub3A_970, %max3A_931 : vector<8x512xf32>
    %slice3A_976 = vector.extract_strided_slice %dot_general3A_42 {offsets = [672, 0], sizes = [8, 512], strides = [1, 1]} : vector<1024x512xf32> to vector<8x512xf32>
    %get3A_977 = arith.constant 672 : index
    %get3A_978 = arith.constant 0 : index
    %get3A_979 = vector.load %arg5[%get3A_977, %get3A_978] : memref<1024x1xf32, #tpu.memory_space<vmem>>, vector<8x1xf32>
    %sub3A_980 = vector.broadcast %get3A_979 : vector<8x1xf32> to vector<8x512xf32>
    %sub3A_981 = arith.subf %slice3A_976, %sub3A_980 : vector<8x512xf32>
    %gt3A_982 = arith.cmpf ogt, %sub3A_981, %max3A_942 : vector<8x512xf32>
    %jit3A_983 = arith.constant 8.400000e+01 : f32
    %broadcast_in_dim3A_984 = vector.broadcast %jit3A_983 : f32 to vector<8x512xf32>
    %select_n3A_985 = arith.select %gt3A_982, %broadcast_in_dim3A_984, %select_n3A_941 : vector<8x512xi1>, vector<8x512xf32>
    %max3A_986 = arith.maximumf %sub3A_981, %max3A_942 : vector<8x512xf32>
    %slice3A_987 = vector.extract_strided_slice %dot_general3A_42 {offsets = [680, 0], sizes = [8, 512], strides = [1, 1]} : vector<1024x512xf32> to vector<8x512xf32>
    %get3A_988 = arith.constant 680 : index
    %get3A_989 = arith.constant 0 : index
    %get3A_990 = vector.load %arg5[%get3A_988, %get3A_989] : memref<1024x1xf32, #tpu.memory_space<vmem>>, vector<8x1xf32>
    %sub3A_991 = vector.broadcast %get3A_990 : vector<8x1xf32> to vector<8x512xf32>
    %sub3A_992 = arith.subf %slice3A_987, %sub3A_991 : vector<8x512xf32>
    %gt3A_993 = arith.cmpf ogt, %sub3A_992, %max3A_953 : vector<8x512xf32>
    %jit3A_994 = arith.constant 8.500000e+01 : f32
    %broadcast_in_dim3A_995 = vector.broadcast %jit3A_994 : f32 to vector<8x512xf32>
    %select_n3A_996 = arith.select %gt3A_993, %broadcast_in_dim3A_995, %select_n3A_952 : vector<8x512xi1>, vector<8x512xf32>
    %max3A_997 = arith.maximumf %sub3A_992, %max3A_953 : vector<8x512xf32>
    %slice3A_998 = vector.extract_strided_slice %dot_general3A_42 {offsets = [688, 0], sizes = [8, 512], strides = [1, 1]} : vector<1024x512xf32> to vector<8x512xf32>
    %get3A_999 = arith.constant 688 : index
    %get3A_1000 = arith.constant 0 : index
    %get3A_1001 = vector.load %arg5[%get3A_999, %get3A_1000] : memref<1024x1xf32, #tpu.memory_space<vmem>>, vector<8x1xf32>
    %sub3A_1002 = vector.broadcast %get3A_1001 : vector<8x1xf32> to vector<8x512xf32>
    %sub3A_1003 = arith.subf %slice3A_998, %sub3A_1002 : vector<8x512xf32>
    %gt3A_1004 = arith.cmpf ogt, %sub3A_1003, %max3A_964 : vector<8x512xf32>
    %jit3A_1005 = arith.constant 8.600000e+01 : f32
    %broadcast_in_dim3A_1006 = vector.broadcast %jit3A_1005 : f32 to vector<8x512xf32>
    %select_n3A_1007 = arith.select %gt3A_1004, %broadcast_in_dim3A_1006, %select_n3A_963 : vector<8x512xi1>, vector<8x512xf32>
    %max3A_1008 = arith.maximumf %sub3A_1003, %max3A_964 : vector<8x512xf32>
    %slice3A_1009 = vector.extract_strided_slice %dot_general3A_42 {offsets = [696, 0], sizes = [8, 512], strides = [1, 1]} : vector<1024x512xf32> to vector<8x512xf32>
    %get3A_1010 = arith.constant 696 : index
    %get3A_1011 = arith.constant 0 : index
    %get3A_1012 = vector.load %arg5[%get3A_1010, %get3A_1011] : memref<1024x1xf32, #tpu.memory_space<vmem>>, vector<8x1xf32>
    %sub3A_1013 = vector.broadcast %get3A_1012 : vector<8x1xf32> to vector<8x512xf32>
    %sub3A_1014 = arith.subf %slice3A_1009, %sub3A_1013 : vector<8x512xf32>
    %gt3A_1015 = arith.cmpf ogt, %sub3A_1014, %max3A_975 : vector<8x512xf32>
    %jit3A_1016 = arith.constant 8.700000e+01 : f32
    %broadcast_in_dim3A_1017 = vector.broadcast %jit3A_1016 : f32 to vector<8x512xf32>
    %select_n3A_1018 = arith.select %gt3A_1015, %broadcast_in_dim3A_1017, %select_n3A_974 : vector<8x512xi1>, vector<8x512xf32>
    %max3A_1019 = arith.maximumf %sub3A_1014, %max3A_975 : vector<8x512xf32>
    %slice3A_1020 = vector.extract_strided_slice %dot_general3A_42 {offsets = [704, 0], sizes = [8, 512], strides = [1, 1]} : vector<1024x512xf32> to vector<8x512xf32>
    %get3A_1021 = arith.constant 704 : index
    %get3A_1022 = arith.constant 0 : index
    %get3A_1023 = vector.load %arg5[%get3A_1021, %get3A_1022] : memref<1024x1xf32, #tpu.memory_space<vmem>>, vector<8x1xf32>
    %sub3A_1024 = vector.broadcast %get3A_1023 : vector<8x1xf32> to vector<8x512xf32>
    %sub3A_1025 = arith.subf %slice3A_1020, %sub3A_1024 : vector<8x512xf32>
    %gt3A_1026 = arith.cmpf ogt, %sub3A_1025, %max3A_986 : vector<8x512xf32>
    %jit3A_1027 = arith.constant 8.800000e+01 : f32
    %broadcast_in_dim3A_1028 = vector.broadcast %jit3A_1027 : f32 to vector<8x512xf32>
    %select_n3A_1029 = arith.select %gt3A_1026, %broadcast_in_dim3A_1028, %select_n3A_985 : vector<8x512xi1>, vector<8x512xf32>
    %max3A_1030 = arith.maximumf %sub3A_1025, %max3A_986 : vector<8x512xf32>
    %slice3A_1031 = vector.extract_strided_slice %dot_general3A_42 {offsets = [712, 0], sizes = [8, 512], strides = [1, 1]} : vector<1024x512xf32> to vector<8x512xf32>
    %get3A_1032 = arith.constant 712 : index
    %get3A_1033 = arith.constant 0 : index
    %get3A_1034 = vector.load %arg5[%get3A_1032, %get3A_1033] : memref<1024x1xf32, #tpu.memory_space<vmem>>, vector<8x1xf32>
    %sub3A_1035 = vector.broadcast %get3A_1034 : vector<8x1xf32> to vector<8x512xf32>
    %sub3A_1036 = arith.subf %slice3A_1031, %sub3A_1035 : vector<8x512xf32>
    %gt3A_1037 = arith.cmpf ogt, %sub3A_1036, %max3A_997 : vector<8x512xf32>
    %jit3A_1038 = arith.constant 8.900000e+01 : f32
    %broadcast_in_dim3A_1039 = vector.broadcast %jit3A_1038 : f32 to vector<8x512xf32>
    %select_n3A_1040 = arith.select %gt3A_1037, %broadcast_in_dim3A_1039, %select_n3A_996 : vector<8x512xi1>, vector<8x512xf32>
    %max3A_1041 = arith.maximumf %sub3A_1036, %max3A_997 : vector<8x512xf32>
    %slice3A_1042 = vector.extract_strided_slice %dot_general3A_42 {offsets = [720, 0], sizes = [8, 512], strides = [1, 1]} : vector<1024x512xf32> to vector<8x512xf32>
    %get3A_1043 = arith.constant 720 : index
    %get3A_1044 = arith.constant 0 : index
    %get3A_1045 = vector.load %arg5[%get3A_1043, %get3A_1044] : memref<1024x1xf32, #tpu.memory_space<vmem>>, vector<8x1xf32>
    %sub3A_1046 = vector.broadcast %get3A_1045 : vector<8x1xf32> to vector<8x512xf32>
    %sub3A_1047 = arith.subf %slice3A_1042, %sub3A_1046 : vector<8x512xf32>
    %gt3A_1048 = arith.cmpf ogt, %sub3A_1047, %max3A_1008 : vector<8x512xf32>
    %jit3A_1049 = arith.constant 9.000000e+01 : f32
    %broadcast_in_dim3A_1050 = vector.broadcast %jit3A_1049 : f32 to vector<8x512xf32>
    %select_n3A_1051 = arith.select %gt3A_1048, %broadcast_in_dim3A_1050, %select_n3A_1007 : vector<8x512xi1>, vector<8x512xf32>
    %max3A_1052 = arith.maximumf %sub3A_1047, %max3A_1008 : vector<8x512xf32>
    %slice3A_1053 = vector.extract_strided_slice %dot_general3A_42 {offsets = [728, 0], sizes = [8, 512], strides = [1, 1]} : vector<1024x512xf32> to vector<8x512xf32>
    %get3A_1054 = arith.constant 728 : index
    %get3A_1055 = arith.constant 0 : index
    %get3A_1056 = vector.load %arg5[%get3A_1054, %get3A_1055] : memref<1024x1xf32, #tpu.memory_space<vmem>>, vector<8x1xf32>
    %sub3A_1057 = vector.broadcast %get3A_1056 : vector<8x1xf32> to vector<8x512xf32>
    %sub3A_1058 = arith.subf %slice3A_1053, %sub3A_1057 : vector<8x512xf32>
    %gt3A_1059 = arith.cmpf ogt, %sub3A_1058, %max3A_1019 : vector<8x512xf32>
    %jit3A_1060 = arith.constant 9.100000e+01 : f32
    %broadcast_in_dim3A_1061 = vector.broadcast %jit3A_1060 : f32 to vector<8x512xf32>
    %select_n3A_1062 = arith.select %gt3A_1059, %broadcast_in_dim3A_1061, %select_n3A_1018 : vector<8x512xi1>, vector<8x512xf32>
    %max3A_1063 = arith.maximumf %sub3A_1058, %max3A_1019 : vector<8x512xf32>
    %slice3A_1064 = vector.extract_strided_slice %dot_general3A_42 {offsets = [736, 0], sizes = [8, 512], strides = [1, 1]} : vector<1024x512xf32> to vector<8x512xf32>
    %get3A_1065 = arith.constant 736 : index
    %get3A_1066 = arith.constant 0 : index
    %get3A_1067 = vector.load %arg5[%get3A_1065, %get3A_1066] : memref<1024x1xf32, #tpu.memory_space<vmem>>, vector<8x1xf32>
    %sub3A_1068 = vector.broadcast %get3A_1067 : vector<8x1xf32> to vector<8x512xf32>
    %sub3A_1069 = arith.subf %slice3A_1064, %sub3A_1068 : vector<8x512xf32>
    %gt3A_1070 = arith.cmpf ogt, %sub3A_1069, %max3A_1030 : vector<8x512xf32>
    %jit3A_1071 = arith.constant 9.200000e+01 : f32
    %broadcast_in_dim3A_1072 = vector.broadcast %jit3A_1071 : f32 to vector<8x512xf32>
    %select_n3A_1073 = arith.select %gt3A_1070, %broadcast_in_dim3A_1072, %select_n3A_1029 : vector<8x512xi1>, vector<8x512xf32>
    %max3A_1074 = arith.maximumf %sub3A_1069, %max3A_1030 : vector<8x512xf32>
    %slice3A_1075 = vector.extract_strided_slice %dot_general3A_42 {offsets = [744, 0], sizes = [8, 512], strides = [1, 1]} : vector<1024x512xf32> to vector<8x512xf32>
    %get3A_1076 = arith.constant 744 : index
    %get3A_1077 = arith.constant 0 : index
    %get3A_1078 = vector.load %arg5[%get3A_1076, %get3A_1077] : memref<1024x1xf32, #tpu.memory_space<vmem>>, vector<8x1xf32>
    %sub3A_1079 = vector.broadcast %get3A_1078 : vector<8x1xf32> to vector<8x512xf32>
    %sub3A_1080 = arith.subf %slice3A_1075, %sub3A_1079 : vector<8x512xf32>
    %gt3A_1081 = arith.cmpf ogt, %sub3A_1080, %max3A_1041 : vector<8x512xf32>
    %jit3A_1082 = arith.constant 9.300000e+01 : f32
    %broadcast_in_dim3A_1083 = vector.broadcast %jit3A_1082 : f32 to vector<8x512xf32>
    %select_n3A_1084 = arith.select %gt3A_1081, %broadcast_in_dim3A_1083, %select_n3A_1040 : vector<8x512xi1>, vector<8x512xf32>
    %max3A_1085 = arith.maximumf %sub3A_1080, %max3A_1041 : vector<8x512xf32>
    %slice3A_1086 = vector.extract_strided_slice %dot_general3A_42 {offsets = [752, 0], sizes = [8, 512], strides = [1, 1]} : vector<1024x512xf32> to vector<8x512xf32>
    %get3A_1087 = arith.constant 752 : index
    %get3A_1088 = arith.constant 0 : index
    %get3A_1089 = vector.load %arg5[%get3A_1087, %get3A_1088] : memref<1024x1xf32, #tpu.memory_space<vmem>>, vector<8x1xf32>
    %sub3A_1090 = vector.broadcast %get3A_1089 : vector<8x1xf32> to vector<8x512xf32>
    %sub3A_1091 = arith.subf %slice3A_1086, %sub3A_1090 : vector<8x512xf32>
    %gt3A_1092 = arith.cmpf ogt, %sub3A_1091, %max3A_1052 : vector<8x512xf32>
    %jit3A_1093 = arith.constant 9.400000e+01 : f32
    %broadcast_in_dim3A_1094 = vector.broadcast %jit3A_1093 : f32 to vector<8x512xf32>
    %select_n3A_1095 = arith.select %gt3A_1092, %broadcast_in_dim3A_1094, %select_n3A_1051 : vector<8x512xi1>, vector<8x512xf32>
    %max3A_1096 = arith.maximumf %sub3A_1091, %max3A_1052 : vector<8x512xf32>
    %slice3A_1097 = vector.extract_strided_slice %dot_general3A_42 {offsets = [760, 0], sizes = [8, 512], strides = [1, 1]} : vector<1024x512xf32> to vector<8x512xf32>
    %get3A_1098 = arith.constant 760 : index
    %get3A_1099 = arith.constant 0 : index
    %get3A_1100 = vector.load %arg5[%get3A_1098, %get3A_1099] : memref<1024x1xf32, #tpu.memory_space<vmem>>, vector<8x1xf32>
    %sub3A_1101 = vector.broadcast %get3A_1100 : vector<8x1xf32> to vector<8x512xf32>
    %sub3A_1102 = arith.subf %slice3A_1097, %sub3A_1101 : vector<8x512xf32>
    %gt3A_1103 = arith.cmpf ogt, %sub3A_1102, %max3A_1063 : vector<8x512xf32>
    %jit3A_1104 = arith.constant 9.500000e+01 : f32
    %broadcast_in_dim3A_1105 = vector.broadcast %jit3A_1104 : f32 to vector<8x512xf32>
    %select_n3A_1106 = arith.select %gt3A_1103, %broadcast_in_dim3A_1105, %select_n3A_1062 : vector<8x512xi1>, vector<8x512xf32>
    %max3A_1107 = arith.maximumf %sub3A_1102, %max3A_1063 : vector<8x512xf32>
    %slice3A_1108 = vector.extract_strided_slice %dot_general3A_42 {offsets = [768, 0], sizes = [8, 512], strides = [1, 1]} : vector<1024x512xf32> to vector<8x512xf32>
    %get3A_1109 = arith.constant 768 : index
    %get3A_1110 = arith.constant 0 : index
    %get3A_1111 = vector.load %arg5[%get3A_1109, %get3A_1110] : memref<1024x1xf32, #tpu.memory_space<vmem>>, vector<8x1xf32>
    %sub3A_1112 = vector.broadcast %get3A_1111 : vector<8x1xf32> to vector<8x512xf32>
    %sub3A_1113 = arith.subf %slice3A_1108, %sub3A_1112 : vector<8x512xf32>
    %gt3A_1114 = arith.cmpf ogt, %sub3A_1113, %max3A_1074 : vector<8x512xf32>
    %jit3A_1115 = arith.constant 9.600000e+01 : f32
    %broadcast_in_dim3A_1116 = vector.broadcast %jit3A_1115 : f32 to vector<8x512xf32>
    %select_n3A_1117 = arith.select %gt3A_1114, %broadcast_in_dim3A_1116, %select_n3A_1073 : vector<8x512xi1>, vector<8x512xf32>
    %max3A_1118 = arith.maximumf %sub3A_1113, %max3A_1074 : vector<8x512xf32>
    %slice3A_1119 = vector.extract_strided_slice %dot_general3A_42 {offsets = [776, 0], sizes = [8, 512], strides = [1, 1]} : vector<1024x512xf32> to vector<8x512xf32>
    %get3A_1120 = arith.constant 776 : index
    %get3A_1121 = arith.constant 0 : index
    %get3A_1122 = vector.load %arg5[%get3A_1120, %get3A_1121] : memref<1024x1xf32, #tpu.memory_space<vmem>>, vector<8x1xf32>
    %sub3A_1123 = vector.broadcast %get3A_1122 : vector<8x1xf32> to vector<8x512xf32>
    %sub3A_1124 = arith.subf %slice3A_1119, %sub3A_1123 : vector<8x512xf32>
    %gt3A_1125 = arith.cmpf ogt, %sub3A_1124, %max3A_1085 : vector<8x512xf32>
    %jit3A_1126 = arith.constant 9.700000e+01 : f32
    %broadcast_in_dim3A_1127 = vector.broadcast %jit3A_1126 : f32 to vector<8x512xf32>
    %select_n3A_1128 = arith.select %gt3A_1125, %broadcast_in_dim3A_1127, %select_n3A_1084 : vector<8x512xi1>, vector<8x512xf32>
    %max3A_1129 = arith.maximumf %sub3A_1124, %max3A_1085 : vector<8x512xf32>
    %slice3A_1130 = vector.extract_strided_slice %dot_general3A_42 {offsets = [784, 0], sizes = [8, 512], strides = [1, 1]} : vector<1024x512xf32> to vector<8x512xf32>
    %get3A_1131 = arith.constant 784 : index
    %get3A_1132 = arith.constant 0 : index
    %get3A_1133 = vector.load %arg5[%get3A_1131, %get3A_1132] : memref<1024x1xf32, #tpu.memory_space<vmem>>, vector<8x1xf32>
    %sub3A_1134 = vector.broadcast %get3A_1133 : vector<8x1xf32> to vector<8x512xf32>
    %sub3A_1135 = arith.subf %slice3A_1130, %sub3A_1134 : vector<8x512xf32>
    %gt3A_1136 = arith.cmpf ogt, %sub3A_1135, %max3A_1096 : vector<8x512xf32>
    %jit3A_1137 = arith.constant 9.800000e+01 : f32
    %broadcast_in_dim3A_1138 = vector.broadcast %jit3A_1137 : f32 to vector<8x512xf32>
    %select_n3A_1139 = arith.select %gt3A_1136, %broadcast_in_dim3A_1138, %select_n3A_1095 : vector<8x512xi1>, vector<8x512xf32>
    %max3A_1140 = arith.maximumf %sub3A_1135, %max3A_1096 : vector<8x512xf32>
    %slice3A_1141 = vector.extract_strided_slice %dot_general3A_42 {offsets = [792, 0], sizes = [8, 512], strides = [1, 1]} : vector<1024x512xf32> to vector<8x512xf32>
    %get3A_1142 = arith.constant 792 : index
    %get3A_1143 = arith.constant 0 : index
    %get3A_1144 = vector.load %arg5[%get3A_1142, %get3A_1143] : memref<1024x1xf32, #tpu.memory_space<vmem>>, vector<8x1xf32>
    %sub3A_1145 = vector.broadcast %get3A_1144 : vector<8x1xf32> to vector<8x512xf32>
    %sub3A_1146 = arith.subf %slice3A_1141, %sub3A_1145 : vector<8x512xf32>
    %gt3A_1147 = arith.cmpf ogt, %sub3A_1146, %max3A_1107 : vector<8x512xf32>
    %jit3A_1148 = arith.constant 9.900000e+01 : f32
    %broadcast_in_dim3A_1149 = vector.broadcast %jit3A_1148 : f32 to vector<8x512xf32>
    %select_n3A_1150 = arith.select %gt3A_1147, %broadcast_in_dim3A_1149, %select_n3A_1106 : vector<8x512xi1>, vector<8x512xf32>
    %max3A_1151 = arith.maximumf %sub3A_1146, %max3A_1107 : vector<8x512xf32>
    %slice3A_1152 = vector.extract_strided_slice %dot_general3A_42 {offsets = [800, 0], sizes = [8, 512], strides = [1, 1]} : vector<1024x512xf32> to vector<8x512xf32>
    %get3A_1153 = arith.constant 800 : index
    %get3A_1154 = arith.constant 0 : index
    %get3A_1155 = vector.load %arg5[%get3A_1153, %get3A_1154] : memref<1024x1xf32, #tpu.memory_space<vmem>>, vector<8x1xf32>
    %sub3A_1156 = vector.broadcast %get3A_1155 : vector<8x1xf32> to vector<8x512xf32>
    %sub3A_1157 = arith.subf %slice3A_1152, %sub3A_1156 : vector<8x512xf32>
    %gt3A_1158 = arith.cmpf ogt, %sub3A_1157, %max3A_1118 : vector<8x512xf32>
    %jit3A_1159 = arith.constant 1.000000e+02 : f32
    %broadcast_in_dim3A_1160 = vector.broadcast %jit3A_1159 : f32 to vector<8x512xf32>
    %select_n3A_1161 = arith.select %gt3A_1158, %broadcast_in_dim3A_1160, %select_n3A_1117 : vector<8x512xi1>, vector<8x512xf32>
    %max3A_1162 = arith.maximumf %sub3A_1157, %max3A_1118 : vector<8x512xf32>
    %slice3A_1163 = vector.extract_strided_slice %dot_general3A_42 {offsets = [808, 0], sizes = [8, 512], strides = [1, 1]} : vector<1024x512xf32> to vector<8x512xf32>
    %get3A_1164 = arith.constant 808 : index
    %get3A_1165 = arith.constant 0 : index
    %get3A_1166 = vector.load %arg5[%get3A_1164, %get3A_1165] : memref<1024x1xf32, #tpu.memory_space<vmem>>, vector<8x1xf32>
    %sub3A_1167 = vector.broadcast %get3A_1166 : vector<8x1xf32> to vector<8x512xf32>
    %sub3A_1168 = arith.subf %slice3A_1163, %sub3A_1167 : vector<8x512xf32>
    %gt3A_1169 = arith.cmpf ogt, %sub3A_1168, %max3A_1129 : vector<8x512xf32>
    %jit3A_1170 = arith.constant 1.010000e+02 : f32
    %broadcast_in_dim3A_1171 = vector.broadcast %jit3A_1170 : f32 to vector<8x512xf32>
    %select_n3A_1172 = arith.select %gt3A_1169, %broadcast_in_dim3A_1171, %select_n3A_1128 : vector<8x512xi1>, vector<8x512xf32>
    %max3A_1173 = arith.maximumf %sub3A_1168, %max3A_1129 : vector<8x512xf32>
    %slice3A_1174 = vector.extract_strided_slice %dot_general3A_42 {offsets = [816, 0], sizes = [8, 512], strides = [1, 1]} : vector<1024x512xf32> to vector<8x512xf32>
    %get3A_1175 = arith.constant 816 : index
    %get3A_1176 = arith.constant 0 : index
    %get3A_1177 = vector.load %arg5[%get3A_1175, %get3A_1176] : memref<1024x1xf32, #tpu.memory_space<vmem>>, vector<8x1xf32>
    %sub3A_1178 = vector.broadcast %get3A_1177 : vector<8x1xf32> to vector<8x512xf32>
    %sub3A_1179 = arith.subf %slice3A_1174, %sub3A_1178 : vector<8x512xf32>
    %gt3A_1180 = arith.cmpf ogt, %sub3A_1179, %max3A_1140 : vector<8x512xf32>
    %jit3A_1181 = arith.constant 1.020000e+02 : f32
    %broadcast_in_dim3A_1182 = vector.broadcast %jit3A_1181 : f32 to vector<8x512xf32>
    %select_n3A_1183 = arith.select %gt3A_1180, %broadcast_in_dim3A_1182, %select_n3A_1139 : vector<8x512xi1>, vector<8x512xf32>
    %max3A_1184 = arith.maximumf %sub3A_1179, %max3A_1140 : vector<8x512xf32>
    %slice3A_1185 = vector.extract_strided_slice %dot_general3A_42 {offsets = [824, 0], sizes = [8, 512], strides = [1, 1]} : vector<1024x512xf32> to vector<8x512xf32>
    %get3A_1186 = arith.constant 824 : index
    %get3A_1187 = arith.constant 0 : index
    %get3A_1188 = vector.load %arg5[%get3A_1186, %get3A_1187] : memref<1024x1xf32, #tpu.memory_space<vmem>>, vector<8x1xf32>
    %sub3A_1189 = vector.broadcast %get3A_1188 : vector<8x1xf32> to vector<8x512xf32>
    %sub3A_1190 = arith.subf %slice3A_1185, %sub3A_1189 : vector<8x512xf32>
    %gt3A_1191 = arith.cmpf ogt, %sub3A_1190, %max3A_1151 : vector<8x512xf32>
    %jit3A_1192 = arith.constant 1.030000e+02 : f32
    %broadcast_in_dim3A_1193 = vector.broadcast %jit3A_1192 : f32 to vector<8x512xf32>
    %select_n3A_1194 = arith.select %gt3A_1191, %broadcast_in_dim3A_1193, %select_n3A_1150 : vector<8x512xi1>, vector<8x512xf32>
    %max3A_1195 = arith.maximumf %sub3A_1190, %max3A_1151 : vector<8x512xf32>
    %slice3A_1196 = vector.extract_strided_slice %dot_general3A_42 {offsets = [832, 0], sizes = [8, 512], strides = [1, 1]} : vector<1024x512xf32> to vector<8x512xf32>
    %get3A_1197 = arith.constant 832 : index
    %get3A_1198 = arith.constant 0 : index
    %get3A_1199 = vector.load %arg5[%get3A_1197, %get3A_1198] : memref<1024x1xf32, #tpu.memory_space<vmem>>, vector<8x1xf32>
    %sub3A_1200 = vector.broadcast %get3A_1199 : vector<8x1xf32> to vector<8x512xf32>
    %sub3A_1201 = arith.subf %slice3A_1196, %sub3A_1200 : vector<8x512xf32>
    %gt3A_1202 = arith.cmpf ogt, %sub3A_1201, %max3A_1162 : vector<8x512xf32>
    %jit3A_1203 = arith.constant 1.040000e+02 : f32
    %broadcast_in_dim3A_1204 = vector.broadcast %jit3A_1203 : f32 to vector<8x512xf32>
    %select_n3A_1205 = arith.select %gt3A_1202, %broadcast_in_dim3A_1204, %select_n3A_1161 : vector<8x512xi1>, vector<8x512xf32>
    %max3A_1206 = arith.maximumf %sub3A_1201, %max3A_1162 : vector<8x512xf32>
    %slice3A_1207 = vector.extract_strided_slice %dot_general3A_42 {offsets = [840, 0], sizes = [8, 512], strides = [1, 1]} : vector<1024x512xf32> to vector<8x512xf32>
    %get3A_1208 = arith.constant 840 : index
    %get3A_1209 = arith.constant 0 : index
    %get3A_1210 = vector.load %arg5[%get3A_1208, %get3A_1209] : memref<1024x1xf32, #tpu.memory_space<vmem>>, vector<8x1xf32>
    %sub3A_1211 = vector.broadcast %get3A_1210 : vector<8x1xf32> to vector<8x512xf32>
    %sub3A_1212 = arith.subf %slice3A_1207, %sub3A_1211 : vector<8x512xf32>
    %gt3A_1213 = arith.cmpf ogt, %sub3A_1212, %max3A_1173 : vector<8x512xf32>
    %jit3A_1214 = arith.constant 1.050000e+02 : f32
    %broadcast_in_dim3A_1215 = vector.broadcast %jit3A_1214 : f32 to vector<8x512xf32>
    %select_n3A_1216 = arith.select %gt3A_1213, %broadcast_in_dim3A_1215, %select_n3A_1172 : vector<8x512xi1>, vector<8x512xf32>
    %max3A_1217 = arith.maximumf %sub3A_1212, %max3A_1173 : vector<8x512xf32>
    %slice3A_1218 = vector.extract_strided_slice %dot_general3A_42 {offsets = [848, 0], sizes = [8, 512], strides = [1, 1]} : vector<1024x512xf32> to vector<8x512xf32>
    %get3A_1219 = arith.constant 848 : index
    %get3A_1220 = arith.constant 0 : index
    %get3A_1221 = vector.load %arg5[%get3A_1219, %get3A_1220] : memref<1024x1xf32, #tpu.memory_space<vmem>>, vector<8x1xf32>
    %sub3A_1222 = vector.broadcast %get3A_1221 : vector<8x1xf32> to vector<8x512xf32>
    %sub3A_1223 = arith.subf %slice3A_1218, %sub3A_1222 : vector<8x512xf32>
    %gt3A_1224 = arith.cmpf ogt, %sub3A_1223, %max3A_1184 : vector<8x512xf32>
    %jit3A_1225 = arith.constant 1.060000e+02 : f32
    %broadcast_in_dim3A_1226 = vector.broadcast %jit3A_1225 : f32 to vector<8x512xf32>
    %select_n3A_1227 = arith.select %gt3A_1224, %broadcast_in_dim3A_1226, %select_n3A_1183 : vector<8x512xi1>, vector<8x512xf32>
    %max3A_1228 = arith.maximumf %sub3A_1223, %max3A_1184 : vector<8x512xf32>
    %slice3A_1229 = vector.extract_strided_slice %dot_general3A_42 {offsets = [856, 0], sizes = [8, 512], strides = [1, 1]} : vector<1024x512xf32> to vector<8x512xf32>
    %get3A_1230 = arith.constant 856 : index
    %get3A_1231 = arith.constant 0 : index
    %get3A_1232 = vector.load %arg5[%get3A_1230, %get3A_1231] : memref<1024x1xf32, #tpu.memory_space<vmem>>, vector<8x1xf32>
    %sub3A_1233 = vector.broadcast %get3A_1232 : vector<8x1xf32> to vector<8x512xf32>
    %sub3A_1234 = arith.subf %slice3A_1229, %sub3A_1233 : vector<8x512xf32>
    %gt3A_1235 = arith.cmpf ogt, %sub3A_1234, %max3A_1195 : vector<8x512xf32>
    %jit3A_1236 = arith.constant 1.070000e+02 : f32
    %broadcast_in_dim3A_1237 = vector.broadcast %jit3A_1236 : f32 to vector<8x512xf32>
    %select_n3A_1238 = arith.select %gt3A_1235, %broadcast_in_dim3A_1237, %select_n3A_1194 : vector<8x512xi1>, vector<8x512xf32>
    %max3A_1239 = arith.maximumf %sub3A_1234, %max3A_1195 : vector<8x512xf32>
    %slice3A_1240 = vector.extract_strided_slice %dot_general3A_42 {offsets = [864, 0], sizes = [8, 512], strides = [1, 1]} : vector<1024x512xf32> to vector<8x512xf32>
    %get3A_1241 = arith.constant 864 : index
    %get3A_1242 = arith.constant 0 : index
    %get3A_1243 = vector.load %arg5[%get3A_1241, %get3A_1242] : memref<1024x1xf32, #tpu.memory_space<vmem>>, vector<8x1xf32>
    %sub3A_1244 = vector.broadcast %get3A_1243 : vector<8x1xf32> to vector<8x512xf32>
    %sub3A_1245 = arith.subf %slice3A_1240, %sub3A_1244 : vector<8x512xf32>
    %gt3A_1246 = arith.cmpf ogt, %sub3A_1245, %max3A_1206 : vector<8x512xf32>
    %jit3A_1247 = arith.constant 1.080000e+02 : f32
    %broadcast_in_dim3A_1248 = vector.broadcast %jit3A_1247 : f32 to vector<8x512xf32>
    %select_n3A_1249 = arith.select %gt3A_1246, %broadcast_in_dim3A_1248, %select_n3A_1205 : vector<8x512xi1>, vector<8x512xf32>
    %max3A_1250 = arith.maximumf %sub3A_1245, %max3A_1206 : vector<8x512xf32>
    %slice3A_1251 = vector.extract_strided_slice %dot_general3A_42 {offsets = [872, 0], sizes = [8, 512], strides = [1, 1]} : vector<1024x512xf32> to vector<8x512xf32>
    %get3A_1252 = arith.constant 872 : index
    %get3A_1253 = arith.constant 0 : index
    %get3A_1254 = vector.load %arg5[%get3A_1252, %get3A_1253] : memref<1024x1xf32, #tpu.memory_space<vmem>>, vector<8x1xf32>
    %sub3A_1255 = vector.broadcast %get3A_1254 : vector<8x1xf32> to vector<8x512xf32>
    %sub3A_1256 = arith.subf %slice3A_1251, %sub3A_1255 : vector<8x512xf32>
    %gt3A_1257 = arith.cmpf ogt, %sub3A_1256, %max3A_1217 : vector<8x512xf32>
    %jit3A_1258 = arith.constant 1.090000e+02 : f32
    %broadcast_in_dim3A_1259 = vector.broadcast %jit3A_1258 : f32 to vector<8x512xf32>
    %select_n3A_1260 = arith.select %gt3A_1257, %broadcast_in_dim3A_1259, %select_n3A_1216 : vector<8x512xi1>, vector<8x512xf32>
    %max3A_1261 = arith.maximumf %sub3A_1256, %max3A_1217 : vector<8x512xf32>
    %slice3A_1262 = vector.extract_strided_slice %dot_general3A_42 {offsets = [880, 0], sizes = [8, 512], strides = [1, 1]} : vector<1024x512xf32> to vector<8x512xf32>
    %get3A_1263 = arith.constant 880 : index
    %get3A_1264 = arith.constant 0 : index
    %get3A_1265 = vector.load %arg5[%get3A_1263, %get3A_1264] : memref<1024x1xf32, #tpu.memory_space<vmem>>, vector<8x1xf32>
    %sub3A_1266 = vector.broadcast %get3A_1265 : vector<8x1xf32> to vector<8x512xf32>
    %sub3A_1267 = arith.subf %slice3A_1262, %sub3A_1266 : vector<8x512xf32>
    %gt3A_1268 = arith.cmpf ogt, %sub3A_1267, %max3A_1228 : vector<8x512xf32>
    %jit3A_1269 = arith.constant 1.100000e+02 : f32
    %broadcast_in_dim3A_1270 = vector.broadcast %jit3A_1269 : f32 to vector<8x512xf32>
    %select_n3A_1271 = arith.select %gt3A_1268, %broadcast_in_dim3A_1270, %select_n3A_1227 : vector<8x512xi1>, vector<8x512xf32>
    %max3A_1272 = arith.maximumf %sub3A_1267, %max3A_1228 : vector<8x512xf32>
    %slice3A_1273 = vector.extract_strided_slice %dot_general3A_42 {offsets = [888, 0], sizes = [8, 512], strides = [1, 1]} : vector<1024x512xf32> to vector<8x512xf32>
    %get3A_1274 = arith.constant 888 : index
    %get3A_1275 = arith.constant 0 : index
    %get3A_1276 = vector.load %arg5[%get3A_1274, %get3A_1275] : memref<1024x1xf32, #tpu.memory_space<vmem>>, vector<8x1xf32>
    %sub3A_1277 = vector.broadcast %get3A_1276 : vector<8x1xf32> to vector<8x512xf32>
    %sub3A_1278 = arith.subf %slice3A_1273, %sub3A_1277 : vector<8x512xf32>
    %gt3A_1279 = arith.cmpf ogt, %sub3A_1278, %max3A_1239 : vector<8x512xf32>
    %jit3A_1280 = arith.constant 1.110000e+02 : f32
    %broadcast_in_dim3A_1281 = vector.broadcast %jit3A_1280 : f32 to vector<8x512xf32>
    %select_n3A_1282 = arith.select %gt3A_1279, %broadcast_in_dim3A_1281, %select_n3A_1238 : vector<8x512xi1>, vector<8x512xf32>
    %max3A_1283 = arith.maximumf %sub3A_1278, %max3A_1239 : vector<8x512xf32>
    %slice3A_1284 = vector.extract_strided_slice %dot_general3A_42 {offsets = [896, 0], sizes = [8, 512], strides = [1, 1]} : vector<1024x512xf32> to vector<8x512xf32>
    %get3A_1285 = arith.constant 896 : index
    %get3A_1286 = arith.constant 0 : index
    %get3A_1287 = vector.load %arg5[%get3A_1285, %get3A_1286] : memref<1024x1xf32, #tpu.memory_space<vmem>>, vector<8x1xf32>
    %sub3A_1288 = vector.broadcast %get3A_1287 : vector<8x1xf32> to vector<8x512xf32>
    %sub3A_1289 = arith.subf %slice3A_1284, %sub3A_1288 : vector<8x512xf32>
    %gt3A_1290 = arith.cmpf ogt, %sub3A_1289, %max3A_1250 : vector<8x512xf32>
    %jit3A_1291 = arith.constant 1.120000e+02 : f32
    %broadcast_in_dim3A_1292 = vector.broadcast %jit3A_1291 : f32 to vector<8x512xf32>
    %select_n3A_1293 = arith.select %gt3A_1290, %broadcast_in_dim3A_1292, %select_n3A_1249 : vector<8x512xi1>, vector<8x512xf32>
    %max3A_1294 = arith.maximumf %sub3A_1289, %max3A_1250 : vector<8x512xf32>
    %slice3A_1295 = vector.extract_strided_slice %dot_general3A_42 {offsets = [904, 0], sizes = [8, 512], strides = [1, 1]} : vector<1024x512xf32> to vector<8x512xf32>
    %get3A_1296 = arith.constant 904 : index
    %get3A_1297 = arith.constant 0 : index
    %get3A_1298 = vector.load %arg5[%get3A_1296, %get3A_1297] : memref<1024x1xf32, #tpu.memory_space<vmem>>, vector<8x1xf32>
    %sub3A_1299 = vector.broadcast %get3A_1298 : vector<8x1xf32> to vector<8x512xf32>
    %sub3A_1300 = arith.subf %slice3A_1295, %sub3A_1299 : vector<8x512xf32>
    %gt3A_1301 = arith.cmpf ogt, %sub3A_1300, %max3A_1261 : vector<8x512xf32>
    %jit3A_1302 = arith.constant 1.130000e+02 : f32
    %broadcast_in_dim3A_1303 = vector.broadcast %jit3A_1302 : f32 to vector<8x512xf32>
    %select_n3A_1304 = arith.select %gt3A_1301, %broadcast_in_dim3A_1303, %select_n3A_1260 : vector<8x512xi1>, vector<8x512xf32>
    %max3A_1305 = arith.maximumf %sub3A_1300, %max3A_1261 : vector<8x512xf32>
    %slice3A_1306 = vector.extract_strided_slice %dot_general3A_42 {offsets = [912, 0], sizes = [8, 512], strides = [1, 1]} : vector<1024x512xf32> to vector<8x512xf32>
    %get3A_1307 = arith.constant 912 : index
    %get3A_1308 = arith.constant 0 : index
    %get3A_1309 = vector.load %arg5[%get3A_1307, %get3A_1308] : memref<1024x1xf32, #tpu.memory_space<vmem>>, vector<8x1xf32>
    %sub3A_1310 = vector.broadcast %get3A_1309 : vector<8x1xf32> to vector<8x512xf32>
    %sub3A_1311 = arith.subf %slice3A_1306, %sub3A_1310 : vector<8x512xf32>
    %gt3A_1312 = arith.cmpf ogt, %sub3A_1311, %max3A_1272 : vector<8x512xf32>
    %jit3A_1313 = arith.constant 1.140000e+02 : f32
    %broadcast_in_dim3A_1314 = vector.broadcast %jit3A_1313 : f32 to vector<8x512xf32>
    %select_n3A_1315 = arith.select %gt3A_1312, %broadcast_in_dim3A_1314, %select_n3A_1271 : vector<8x512xi1>, vector<8x512xf32>
    %max3A_1316 = arith.maximumf %sub3A_1311, %max3A_1272 : vector<8x512xf32>
    %slice3A_1317 = vector.extract_strided_slice %dot_general3A_42 {offsets = [920, 0], sizes = [8, 512], strides = [1, 1]} : vector<1024x512xf32> to vector<8x512xf32>
    %get3A_1318 = arith.constant 920 : index
    %get3A_1319 = arith.constant 0 : index
    %get3A_1320 = vector.load %arg5[%get3A_1318, %get3A_1319] : memref<1024x1xf32, #tpu.memory_space<vmem>>, vector<8x1xf32>
    %sub3A_1321 = vector.broadcast %get3A_1320 : vector<8x1xf32> to vector<8x512xf32>
    %sub3A_1322 = arith.subf %slice3A_1317, %sub3A_1321 : vector<8x512xf32>
    %gt3A_1323 = arith.cmpf ogt, %sub3A_1322, %max3A_1283 : vector<8x512xf32>
    %jit3A_1324 = arith.constant 1.150000e+02 : f32
    %broadcast_in_dim3A_1325 = vector.broadcast %jit3A_1324 : f32 to vector<8x512xf32>
    %select_n3A_1326 = arith.select %gt3A_1323, %broadcast_in_dim3A_1325, %select_n3A_1282 : vector<8x512xi1>, vector<8x512xf32>
    %max3A_1327 = arith.maximumf %sub3A_1322, %max3A_1283 : vector<8x512xf32>
    %slice3A_1328 = vector.extract_strided_slice %dot_general3A_42 {offsets = [928, 0], sizes = [8, 512], strides = [1, 1]} : vector<1024x512xf32> to vector<8x512xf32>
    %get3A_1329 = arith.constant 928 : index
    %get3A_1330 = arith.constant 0 : index
    %get3A_1331 = vector.load %arg5[%get3A_1329, %get3A_1330] : memref<1024x1xf32, #tpu.memory_space<vmem>>, vector<8x1xf32>
    %sub3A_1332 = vector.broadcast %get3A_1331 : vector<8x1xf32> to vector<8x512xf32>
    %sub3A_1333 = arith.subf %slice3A_1328, %sub3A_1332 : vector<8x512xf32>
    %gt3A_1334 = arith.cmpf ogt, %sub3A_1333, %max3A_1294 : vector<8x512xf32>
    %jit3A_1335 = arith.constant 1.160000e+02 : f32
    %broadcast_in_dim3A_1336 = vector.broadcast %jit3A_1335 : f32 to vector<8x512xf32>
    %select_n3A_1337 = arith.select %gt3A_1334, %broadcast_in_dim3A_1336, %select_n3A_1293 : vector<8x512xi1>, vector<8x512xf32>
    %max3A_1338 = arith.maximumf %sub3A_1333, %max3A_1294 : vector<8x512xf32>
    %slice3A_1339 = vector.extract_strided_slice %dot_general3A_42 {offsets = [936, 0], sizes = [8, 512], strides = [1, 1]} : vector<1024x512xf32> to vector<8x512xf32>
    %get3A_1340 = arith.constant 936 : index
    %get3A_1341 = arith.constant 0 : index
    %get3A_1342 = vector.load %arg5[%get3A_1340, %get3A_1341] : memref<1024x1xf32, #tpu.memory_space<vmem>>, vector<8x1xf32>
    %sub3A_1343 = vector.broadcast %get3A_1342 : vector<8x1xf32> to vector<8x512xf32>
    %sub3A_1344 = arith.subf %slice3A_1339, %sub3A_1343 : vector<8x512xf32>
    %gt3A_1345 = arith.cmpf ogt, %sub3A_1344, %max3A_1305 : vector<8x512xf32>
    %jit3A_1346 = arith.constant 1.170000e+02 : f32
    %broadcast_in_dim3A_1347 = vector.broadcast %jit3A_1346 : f32 to vector<8x512xf32>
    %select_n3A_1348 = arith.select %gt3A_1345, %broadcast_in_dim3A_1347, %select_n3A_1304 : vector<8x512xi1>, vector<8x512xf32>
    %max3A_1349 = arith.maximumf %sub3A_1344, %max3A_1305 : vector<8x512xf32>
    %slice3A_1350 = vector.extract_strided_slice %dot_general3A_42 {offsets = [944, 0], sizes = [8, 512], strides = [1, 1]} : vector<1024x512xf32> to vector<8x512xf32>
    %get3A_1351 = arith.constant 944 : index
    %get3A_1352 = arith.constant 0 : index
    %get3A_1353 = vector.load %arg5[%get3A_1351, %get3A_1352] : memref<1024x1xf32, #tpu.memory_space<vmem>>, vector<8x1xf32>
    %sub3A_1354 = vector.broadcast %get3A_1353 : vector<8x1xf32> to vector<8x512xf32>
    %sub3A_1355 = arith.subf %slice3A_1350, %sub3A_1354 : vector<8x512xf32>
    %gt3A_1356 = arith.cmpf ogt, %sub3A_1355, %max3A_1316 : vector<8x512xf32>
    %jit3A_1357 = arith.constant 1.180000e+02 : f32
    %broadcast_in_dim3A_1358 = vector.broadcast %jit3A_1357 : f32 to vector<8x512xf32>
    %select_n3A_1359 = arith.select %gt3A_1356, %broadcast_in_dim3A_1358, %select_n3A_1315 : vector<8x512xi1>, vector<8x512xf32>
    %max3A_1360 = arith.maximumf %sub3A_1355, %max3A_1316 : vector<8x512xf32>
    %slice3A_1361 = vector.extract_strided_slice %dot_general3A_42 {offsets = [952, 0], sizes = [8, 512], strides = [1, 1]} : vector<1024x512xf32> to vector<8x512xf32>
    %get3A_1362 = arith.constant 952 : index
    %get3A_1363 = arith.constant 0 : index
    %get3A_1364 = vector.load %arg5[%get3A_1362, %get3A_1363] : memref<1024x1xf32, #tpu.memory_space<vmem>>, vector<8x1xf32>
    %sub3A_1365 = vector.broadcast %get3A_1364 : vector<8x1xf32> to vector<8x512xf32>
    %sub3A_1366 = arith.subf %slice3A_1361, %sub3A_1365 : vector<8x512xf32>
    %gt3A_1367 = arith.cmpf ogt, %sub3A_1366, %max3A_1327 : vector<8x512xf32>
    %jit3A_1368 = arith.constant 1.190000e+02 : f32
    %broadcast_in_dim3A_1369 = vector.broadcast %jit3A_1368 : f32 to vector<8x512xf32>
    %select_n3A_1370 = arith.select %gt3A_1367, %broadcast_in_dim3A_1369, %select_n3A_1326 : vector<8x512xi1>, vector<8x512xf32>
    %max3A_1371 = arith.maximumf %sub3A_1366, %max3A_1327 : vector<8x512xf32>
    %slice3A_1372 = vector.extract_strided_slice %dot_general3A_42 {offsets = [960, 0], sizes = [8, 512], strides = [1, 1]} : vector<1024x512xf32> to vector<8x512xf32>
    %get3A_1373 = arith.constant 960 : index
    %get3A_1374 = arith.constant 0 : index
    %get3A_1375 = vector.load %arg5[%get3A_1373, %get3A_1374] : memref<1024x1xf32, #tpu.memory_space<vmem>>, vector<8x1xf32>
    %sub3A_1376 = vector.broadcast %get3A_1375 : vector<8x1xf32> to vector<8x512xf32>
    %sub3A_1377 = arith.subf %slice3A_1372, %sub3A_1376 : vector<8x512xf32>
    %gt3A_1378 = arith.cmpf ogt, %sub3A_1377, %max3A_1338 : vector<8x512xf32>
    %jit3A_1379 = arith.constant 1.200000e+02 : f32
    %broadcast_in_dim3A_1380 = vector.broadcast %jit3A_1379 : f32 to vector<8x512xf32>
    %select_n3A_1381 = arith.select %gt3A_1378, %broadcast_in_dim3A_1380, %select_n3A_1337 : vector<8x512xi1>, vector<8x512xf32>
    %max3A_1382 = arith.maximumf %sub3A_1377, %max3A_1338 : vector<8x512xf32>
    %slice3A_1383 = vector.extract_strided_slice %dot_general3A_42 {offsets = [968, 0], sizes = [8, 512], strides = [1, 1]} : vector<1024x512xf32> to vector<8x512xf32>
    %get3A_1384 = arith.constant 968 : index
    %get3A_1385 = arith.constant 0 : index
    %get3A_1386 = vector.load %arg5[%get3A_1384, %get3A_1385] : memref<1024x1xf32, #tpu.memory_space<vmem>>, vector<8x1xf32>
    %sub3A_1387 = vector.broadcast %get3A_1386 : vector<8x1xf32> to vector<8x512xf32>
    %sub3A_1388 = arith.subf %slice3A_1383, %sub3A_1387 : vector<8x512xf32>
    %gt3A_1389 = arith.cmpf ogt, %sub3A_1388, %max3A_1349 : vector<8x512xf32>
    %jit3A_1390 = arith.constant 1.210000e+02 : f32
    %broadcast_in_dim3A_1391 = vector.broadcast %jit3A_1390 : f32 to vector<8x512xf32>
    %select_n3A_1392 = arith.select %gt3A_1389, %broadcast_in_dim3A_1391, %select_n3A_1348 : vector<8x512xi1>, vector<8x512xf32>
    %max3A_1393 = arith.maximumf %sub3A_1388, %max3A_1349 : vector<8x512xf32>
    %slice3A_1394 = vector.extract_strided_slice %dot_general3A_42 {offsets = [976, 0], sizes = [8, 512], strides = [1, 1]} : vector<1024x512xf32> to vector<8x512xf32>
    %get3A_1395 = arith.constant 976 : index
    %get3A_1396 = arith.constant 0 : index
    %get3A_1397 = vector.load %arg5[%get3A_1395, %get3A_1396] : memref<1024x1xf32, #tpu.memory_space<vmem>>, vector<8x1xf32>
    %sub3A_1398 = vector.broadcast %get3A_1397 : vector<8x1xf32> to vector<8x512xf32>
    %sub3A_1399 = arith.subf %slice3A_1394, %sub3A_1398 : vector<8x512xf32>
    %gt3A_1400 = arith.cmpf ogt, %sub3A_1399, %max3A_1360 : vector<8x512xf32>
    %jit3A_1401 = arith.constant 1.220000e+02 : f32
    %broadcast_in_dim3A_1402 = vector.broadcast %jit3A_1401 : f32 to vector<8x512xf32>
    %select_n3A_1403 = arith.select %gt3A_1400, %broadcast_in_dim3A_1402, %select_n3A_1359 : vector<8x512xi1>, vector<8x512xf32>
    %max3A_1404 = arith.maximumf %sub3A_1399, %max3A_1360 : vector<8x512xf32>
    %slice3A_1405 = vector.extract_strided_slice %dot_general3A_42 {offsets = [984, 0], sizes = [8, 512], strides = [1, 1]} : vector<1024x512xf32> to vector<8x512xf32>
    %get3A_1406 = arith.constant 984 : index
    %get3A_1407 = arith.constant 0 : index
    %get3A_1408 = vector.load %arg5[%get3A_1406, %get3A_1407] : memref<1024x1xf32, #tpu.memory_space<vmem>>, vector<8x1xf32>
    %sub3A_1409 = vector.broadcast %get3A_1408 : vector<8x1xf32> to vector<8x512xf32>
    %sub3A_1410 = arith.subf %slice3A_1405, %sub3A_1409 : vector<8x512xf32>
    %gt3A_1411 = arith.cmpf ogt, %sub3A_1410, %max3A_1371 : vector<8x512xf32>
    %jit3A_1412 = arith.constant 1.230000e+02 : f32
    %broadcast_in_dim3A_1413 = vector.broadcast %jit3A_1412 : f32 to vector<8x512xf32>
    %select_n3A_1414 = arith.select %gt3A_1411, %broadcast_in_dim3A_1413, %select_n3A_1370 : vector<8x512xi1>, vector<8x512xf32>
    %max3A_1415 = arith.maximumf %sub3A_1410, %max3A_1371 : vector<8x512xf32>
    %slice3A_1416 = vector.extract_strided_slice %dot_general3A_42 {offsets = [992, 0], sizes = [8, 512], strides = [1, 1]} : vector<1024x512xf32> to vector<8x512xf32>
    %get3A_1417 = arith.constant 992 : index
    %get3A_1418 = arith.constant 0 : index
    %get3A_1419 = vector.load %arg5[%get3A_1417, %get3A_1418] : memref<1024x1xf32, #tpu.memory_space<vmem>>, vector<8x1xf32>
    %sub3A_1420 = vector.broadcast %get3A_1419 : vector<8x1xf32> to vector<8x512xf32>
    %sub3A_1421 = arith.subf %slice3A_1416, %sub3A_1420 : vector<8x512xf32>
    %gt3A_1422 = arith.cmpf ogt, %sub3A_1421, %max3A_1382 : vector<8x512xf32>
    %jit3A_1423 = arith.constant 1.240000e+02 : f32
    %broadcast_in_dim3A_1424 = vector.broadcast %jit3A_1423 : f32 to vector<8x512xf32>
    %select_n3A_1425 = arith.select %gt3A_1422, %broadcast_in_dim3A_1424, %select_n3A_1381 : vector<8x512xi1>, vector<8x512xf32>
    %max3A_1426 = arith.maximumf %sub3A_1421, %max3A_1382 : vector<8x512xf32>
    %slice3A_1427 = vector.extract_strided_slice %dot_general3A_42 {offsets = [1000, 0], sizes = [8, 512], strides = [1, 1]} : vector<1024x512xf32> to vector<8x512xf32>
    %get3A_1428 = arith.constant 1000 : index
    %get3A_1429 = arith.constant 0 : index
    %get3A_1430 = vector.load %arg5[%get3A_1428, %get3A_1429] : memref<1024x1xf32, #tpu.memory_space<vmem>>, vector<8x1xf32>
    %sub3A_1431 = vector.broadcast %get3A_1430 : vector<8x1xf32> to vector<8x512xf32>
    %sub3A_1432 = arith.subf %slice3A_1427, %sub3A_1431 : vector<8x512xf32>
    %gt3A_1433 = arith.cmpf ogt, %sub3A_1432, %max3A_1393 : vector<8x512xf32>
    %jit3A_1434 = arith.constant 1.250000e+02 : f32
    %broadcast_in_dim3A_1435 = vector.broadcast %jit3A_1434 : f32 to vector<8x512xf32>
    %select_n3A_1436 = arith.select %gt3A_1433, %broadcast_in_dim3A_1435, %select_n3A_1392 : vector<8x512xi1>, vector<8x512xf32>
    %max3A_1437 = arith.maximumf %sub3A_1432, %max3A_1393 : vector<8x512xf32>
    %slice3A_1438 = vector.extract_strided_slice %dot_general3A_42 {offsets = [1008, 0], sizes = [8, 512], strides = [1, 1]} : vector<1024x512xf32> to vector<8x512xf32>
    %get3A_1439 = arith.constant 1008 : index
    %get3A_1440 = arith.constant 0 : index
    %get3A_1441 = vector.load %arg5[%get3A_1439, %get3A_1440] : memref<1024x1xf32, #tpu.memory_space<vmem>>, vector<8x1xf32>
    %sub3A_1442 = vector.broadcast %get3A_1441 : vector<8x1xf32> to vector<8x512xf32>
    %sub3A_1443 = arith.subf %slice3A_1438, %sub3A_1442 : vector<8x512xf32>
    %gt3A_1444 = arith.cmpf ogt, %sub3A_1443, %max3A_1404 : vector<8x512xf32>
    %jit3A_1445 = arith.constant 1.260000e+02 : f32
    %broadcast_in_dim3A_1446 = vector.broadcast %jit3A_1445 : f32 to vector<8x512xf32>
    %select_n3A_1447 = arith.select %gt3A_1444, %broadcast_in_dim3A_1446, %select_n3A_1403 : vector<8x512xi1>, vector<8x512xf32>
    %max3A_1448 = arith.maximumf %sub3A_1443, %max3A_1404 : vector<8x512xf32>
    %slice3A_1449 = vector.extract_strided_slice %dot_general3A_42 {offsets = [1016, 0], sizes = [8, 512], strides = [1, 1]} : vector<1024x512xf32> to vector<8x512xf32>
    %get3A_1450 = arith.constant 1016 : index
    %get3A_1451 = arith.constant 0 : index
    %get3A_1452 = vector.load %arg5[%get3A_1450, %get3A_1451] : memref<1024x1xf32, #tpu.memory_space<vmem>>, vector<8x1xf32>
    %sub3A_1453 = vector.broadcast %get3A_1452 : vector<8x1xf32> to vector<8x512xf32>
    %sub3A_1454 = arith.subf %slice3A_1449, %sub3A_1453 : vector<8x512xf32>
    %gt3A_1455 = arith.cmpf ogt, %sub3A_1454, %max3A_1415 : vector<8x512xf32>
    %jit3A_1456 = arith.constant 1.270000e+02 : f32
    %broadcast_in_dim3A_1457 = vector.broadcast %jit3A_1456 : f32 to vector<8x512xf32>
    %select_n3A_1458 = arith.select %gt3A_1455, %broadcast_in_dim3A_1457, %select_n3A_1414 : vector<8x512xi1>, vector<8x512xf32>
    %max3A_1459 = arith.maximumf %sub3A_1454, %max3A_1415 : vector<8x512xf32>
    %iota3A = tpu.iota {dimensions = array<i32: 0>} : vector<8x512xi32>
    %convert_element_type3A_1460 = arith.sitofp %iota3A : vector<8x512xi32> to vector<8x512xf32>
    %concatenate3A = tpu.concatenate %max3A_1426, %max3A_1437, %max3A_1448, %max3A_1459 in 0 : vector<8x512xf32>, vector<8x512xf32>, vector<8x512xf32>, vector<8x512xf32> -> vector<32x512xf32>
    %mul3A = arith.constant 8.000000e+00 : f32
    %mul3A_1461 = vector.broadcast %mul3A : f32 to vector<8x512xf32>
    %mul3A_1462 = arith.mulf %select_n3A_1425, %mul3A_1461 : vector<8x512xf32>
    %add3A = arith.addf %mul3A_1462, %convert_element_type3A_1460 : vector<8x512xf32>
    %mul3A_1463 = arith.constant 8.000000e+00 : f32
    %mul3A_1464 = vector.broadcast %mul3A_1463 : f32 to vector<8x512xf32>
    %mul3A_1465 = arith.mulf %select_n3A_1436, %mul3A_1464 : vector<8x512xf32>
    %add3A_1466 = arith.addf %mul3A_1465, %convert_element_type3A_1460 : vector<8x512xf32>
    %mul3A_1467 = arith.constant 8.000000e+00 : f32
    %mul3A_1468 = vector.broadcast %mul3A_1467 : f32 to vector<8x512xf32>
    %mul3A_1469 = arith.mulf %select_n3A_1447, %mul3A_1468 : vector<8x512xf32>
    %add3A_1470 = arith.addf %mul3A_1469, %convert_element_type3A_1460 : vector<8x512xf32>
    %mul3A_1471 = arith.constant 8.000000e+00 : f32
    %mul3A_1472 = vector.broadcast %mul3A_1471 : f32 to vector<8x512xf32>
    %mul3A_1473 = arith.mulf %select_n3A_1458, %mul3A_1472 : vector<8x512xf32>
    %add3A_1474 = arith.addf %mul3A_1473, %convert_element_type3A_1460 : vector<8x512xf32>
    %concatenate3A_1475 = tpu.concatenate %add3A, %add3A_1466, %add3A_1470, %add3A_1474 in 0 : vector<8x512xf32>, vector<8x512xf32>, vector<8x512xf32>, vector<8x512xf32> -> vector<32x512xf32>
    %reduce_max3A = arith.constant dense<0xFF800000> : vector<512xf32>
    %reduce_max3A_1476 = vector.multi_reduction <maximumf>, %concatenate3A, %reduce_max3A [0] : vector<32x512xf32> to vector<512xf32>
    %broadcast_in_dim3A_1477 = vector.shape_cast %reduce_max3A_1476 : vector<512xf32> to vector<1x512xf32>
    %eq3A_1478 = vector.broadcast %broadcast_in_dim3A_1477 : vector<1x512xf32> to vector<32x512xf32>
    %eq3A_1479 = arith.cmpf oeq, %concatenate3A, %eq3A_1478 : vector<32x512xf32>
    %jit3A_1480 = arith.constant 2.048000e+03 : f32
    %broadcast_in_dim3A_1481 = vector.broadcast %jit3A_1480 : f32 to vector<32x512xf32>
    %select_n3A_1482 = arith.select %eq3A_1479, %concatenate3A_1475, %broadcast_in_dim3A_1481 : vector<32x512xi1>, vector<32x512xf32>
    %reduce_min3A = arith.constant dense<0x7F800000> : vector<512xf32>
    %reduce_min3A_1483 = vector.multi_reduction <minimumf>, %select_n3A_1482, %reduce_min3A [0] : vector<32x512xf32> to vector<512xf32>
    %convert_element_type3A_1484 = arith.fptosi %reduce_min3A_1483 : vector<512xf32> to vector<512xi32>
    %slice3A_1485 = vector.extract_strided_slice %convert_element_type3A_1484 {offsets = [0], sizes = [128], strides = [1]} : vector<512xi32> to vector<128xi32>
    %swap3A_1486 = arith.constant 0 : index
    %swap3A_1487 = arith.constant 0 : index
    %swap3A_1488 = arith.constant 0 : index
    %swap3A_1489 = vector.load %arg3[%swap3A_1486, %swap3A_1487, %swap3A_1488] : memref<4x1x128xi32, #tpu.memory_space<vmem>>, vector<1x1x128xi32>
    %swap3A_1490 = vector.shape_cast %swap3A_1489 : vector<1x1x128xi32> to vector<128xi32>
    %swap3A_1491 = vector.shape_cast %slice3A_1485 : vector<128xi32> to vector<1x1x128xi32>
    tpu.vector_store %arg3[%swap3A_1486, %swap3A_1487, %swap3A_1488], %swap3A_1491 {strides = array<i32>} : memref<4x1x128xi32, #tpu.memory_space<vmem>>, vector<1x1x128xi32>,
    %slice3A_1492 = vector.extract_strided_slice %convert_element_type3A_1484 {offsets = [128], sizes = [128], strides = [1]} : vector<512xi32> to vector<128xi32>
    %swap3A_1493 = arith.constant 1 : index
    %swap3A_1494 = arith.constant 0 : index
    %swap3A_1495 = arith.constant 0 : index
    %swap3A_1496 = vector.load %arg3[%swap3A_1493, %swap3A_1494, %swap3A_1495] : memref<4x1x128xi32, #tpu.memory_space<vmem>>, vector<1x1x128xi32>
    %swap3A_1497 = vector.shape_cast %swap3A_1496 : vector<1x1x128xi32> to vector<128xi32>
    %swap3A_1498 = vector.shape_cast %slice3A_1492 : vector<128xi32> to vector<1x1x128xi32>
    tpu.vector_store %arg3[%swap3A_1493, %swap3A_1494, %swap3A_1495], %swap3A_1498 {strides = array<i32>} : memref<4x1x128xi32, #tpu.memory_space<vmem>>, vector<1x1x128xi32>,
    %slice3A_1499 = vector.extract_strided_slice %convert_element_type3A_1484 {offsets = [256], sizes = [128], strides = [1]} : vector<512xi32> to vector<128xi32>
    %swap3A_1500 = arith.constant 2 : index
    %swap3A_1501 = arith.constant 0 : index
    %swap3A_1502 = arith.constant 0 : index
    %swap3A_1503 = vector.load %arg3[%swap3A_1500, %swap3A_1501, %swap3A_1502] : memref<4x1x128xi32, #tpu.memory_space<vmem>>, vector<1x1x128xi32>
    %swap3A_1504 = vector.shape_cast %swap3A_1503 : vector<1x1x128xi32> to vector<128xi32>
    %swap3A_1505 = vector.shape_cast %slice3A_1499 : vector<128xi32> to vector<1x1x128xi32>
    tpu.vector_store %arg3[%swap3A_1500, %swap3A_1501, %swap3A_1502], %swap3A_1505 {strides = array<i32>} : memref<4x1x128xi32, #tpu.memory_space<vmem>>, vector<1x1x128xi32>,
    %slice3A_1506 = vector.extract_strided_slice %convert_element_type3A_1484 {offsets = [384], sizes = [128], strides = [1]} : vector<512xi32> to vector<128xi32>
    %swap3A_1507 = arith.constant 3 : index
    %swap3A_1508 = arith.constant 0 : index
    %swap3A_1509 = arith.constant 0 : index
    %swap3A_1510 = vector.load %arg3[%swap3A_1507, %swap3A_1508, %swap3A_1509] : memref<4x1x128xi32, #tpu.memory_space<vmem>>, vector<1x1x128xi32>
    %swap3A_1511 = vector.shape_cast %swap3A_1510 : vector<1x1x128xi32> to vector<128xi32>
    %swap3A_1512 = vector.shape_cast %slice3A_1506 : vector<128xi32> to vector<1x1x128xi32>
    tpu.vector_store %arg3[%swap3A_1507, %swap3A_1508, %swap3A_1509], %swap3A_1512 {strides = array<i32>} : memref<4x1x128xi32, #tpu.memory_space<vmem>>, vector<1x1x128xi32>,
    %mul3A_1513 = arith.mulf %get3A_41, %get3A_41 : vector<256x512xf32>
    %reduce_sum3A = arith.constant dense<0.000000e+00> : vector<512xf32>
    %reduce_sum3A_1514 = vector.multi_reduction <add>, %mul3A_1513, %reduce_sum3A [0] : vector<256x512xf32> to vector<512xf32>
    %mul3A_1515 = arith.constant 2.000000e+00 : f32
    %mul3A_1516 = vector.broadcast %mul3A_1515 : f32 to vector<512xf32>
    %mul3A_1517 = arith.mulf %mul3A_1516, %reduce_max3A_1476 : vector<512xf32>
    %sub3A_1518 = arith.subf %reduce_sum3A_1514, %mul3A_1517 : vector<512xf32>
    %slice3A_1519 = vector.extract_strided_slice %sub3A_1518 {offsets = [0], sizes = [128], strides = [1]} : vector<512xf32> to vector<128xf32>
    %slice3A_1520 = vector.extract_strided_slice %sub3A_1518 {offsets = [128], sizes = [128], strides = [1]} : vector<512xf32> to vector<128xf32>
    %add3A_1521 = arith.addf %slice3A_1519, %slice3A_1520 : vector<128xf32>
    %slice3A_1522 = vector.extract_strided_slice %sub3A_1518 {offsets = [256], sizes = [128], strides = [1]} : vector<512xf32> to vector<128xf32>
    %add3A_1523 = arith.addf %add3A_1521, %slice3A_1522 : vector<128xf32>
    %slice3A_1524 = vector.extract_strided_slice %sub3A_1518 {offsets = [384], sizes = [128], strides = [1]} : vector<512xf32> to vector<128xf32>
    %add3A_1525 = arith.addf %add3A_1523, %slice3A_1524 : vector<128xf32>
    %get3A_1526 = arith.constant 0 : index
    %get3A_1527 = arith.constant 0 : index
    %get3A_1528 = vector.load %arg4[%get3A_1526, %get3A_1527] : memref<8x128xf32, #tpu.memory_space<vmem>>, vector<1x128xf32>
    %broadcast_in_dim3A_1529 = vector.shape_cast %add3A_1525 : vector<128xf32> to vector<1x128xf32>
    %add3A_1530 = arith.addf %get3A_1528, %broadcast_in_dim3A_1529 : vector<1x128xf32>
    %swap3A_1531 = arith.constant 0 : index
    %swap3A_1532 = arith.constant 0 : index
    %swap3A_1533 = vector.load %arg4[%swap3A_1531, %swap3A_1532] : memref<8x128xf32, #tpu.memory_space<vmem>>, vector<1x128xf32>
    tpu.vector_store %arg4[%swap3A_1531, %swap3A_1532], %add3A_1530 {strides = array<i32>} : memref<8x128xf32, #tpu.memory_space<vmem>>, vector<1x128xf32>,
    %eq3A_1534 = arith.constant 31 : i32
    %eq3A_1535 = arith.cmpi eq, %arg0, %eq3A_1534 : i32
    %convert_element_type3A_1536 = arith.extui %eq3A_1535 : i1 to i32
    %cond3A_1537 = arith.constant 0 : i32
    %cond3A_1538 = arith.cmpi ne, %convert_element_type3A_1536, %cond3A_1537 : i32
    scf.if %cond3A_1538 {
      %get3A_1539 = arith.constant 0 : index
      %get3A_1540 = arith.constant 0 : index
      %get3A_1541 = vector.load %arg4[%get3A_1539, %get3A_1540] : memref<8x128xf32, #tpu.memory_space<vmem>>, vector<8x128xf32>
      %reduce_sum3A_1542 = vector.shape_cast %get3A_1541 : vector<8x128xf32> to vector<1x8x128xf32>
      %reduce_sum3A_1543 = arith.constant dense<0.000000e+00> : vector<1xf32>
      %reduce_sum3A_1544 = vector.multi_reduction <add>, %reduce_sum3A_1542, %reduce_sum3A_1543 [1, 2] : vector<1x8x128xf32> to vector<1xf32>
      %reduce_sum3A_1545 = vector.shape_cast %reduce_sum3A_1544 : vector<1xf32> to vector<1x1x1xf32>
      %reduce_sum3A_1546 = vector.extract %reduce_sum3A_1545[0, 0, 0] : f32 from vector<1x1x1xf32>
      %mul3A_1547 = arith.constant 2.98023224E-7 : f32
      %mul3A_1548 = arith.mulf %reduce_sum3A_1546, %mul3A_1547 : f32
      %broadcast_in_dim3A_1549 = vector.broadcast %mul3A_1548 : f32 to vector<8x128xf32>
      %swap3A_1550 = arith.constant 0 : index
      %swap3A_1551 = arith.constant 0 : index
      %swap3A_1552 = vector.load %arg4[%swap3A_1550, %swap3A_1551] : memref<8x128xf32, #tpu.memory_space<vmem>>, vector<8x128xf32>
      tpu.vector_store %arg4[%swap3A_1550, %swap3A_1551], %broadcast_in_dim3A_1549 {strides = array<i32>} : memref<8x128xf32, #tpu.memory_space<vmem>>, vector<8x128xf32>,
    } else {
    }
    return
  }
  func.func @transform_0(%arg0: i32) -> (i32, i32, i32, i32) {
    %jit3A = arith.constant 4 : i32
    %div3A = arith.divsi %arg0, %jit3A : i32
    %sign3A = arith.constant 0 : i32
    %sign3A_0 = arith.cmpi sgt, %arg0, %sign3A : i32
    %sign3A_1 = arith.extui %sign3A_0 : i1 to i32
    %sign3A_2 = arith.constant 0 : i32
    %sign3A_3 = arith.cmpi slt, %arg0, %sign3A_2 : i32
    %sign3A_4 = arith.extui %sign3A_3 : i1 to i32
    %sign3A_5 = arith.subi %sign3A_1, %sign3A_4 : i32
    %sign3A_6 = arith.constant 0 : i32
    %sign3A_7 = arith.cmpi sgt, %jit3A, %sign3A_6 : i32
    %sign3A_8 = arith.extui %sign3A_7 : i1 to i32
    %sign3A_9 = arith.constant 0 : i32
    %sign3A_10 = arith.cmpi slt, %jit3A, %sign3A_9 : i32
    %sign3A_11 = arith.extui %sign3A_10 : i1 to i32
    %sign3A_12 = arith.subi %sign3A_8, %sign3A_11 : i32
    %ne3A = arith.cmpi ne, %sign3A_5, %sign3A_12 : i32
    %rem3A = arith.remsi %arg0, %jit3A : i32
    %ne3A_13 = arith.constant 0 : i32
    %ne3A_14 = arith.cmpi ne, %rem3A, %ne3A_13 : i32
    %and3A = arith.andi %ne3A, %ne3A_14 : i1
    %sub3A = arith.constant 1 : i32
    %sub3A_15 = arith.subi %div3A, %sub3A : i32
    %select_n3A = arith.select %and3A, %sub3A_15, %div3A : i32
    %jit3A_16 = arith.constant 4 : i32
    %eq3A = arith.constant 0 : i32
    %eq3A_17 = arith.cmpi eq, %jit3A_16, %eq3A : i32
    %jit3A_18 = arith.constant 1 : i32
    %select_n3A_19 = arith.select %eq3A_17, %jit3A_18, %jit3A_16 : i32
    %rem3A_20 = arith.remsi %arg0, %select_n3A_19 : i32
    %ne3A_21 = arith.constant 0 : i32
    %ne3A_22 = arith.cmpi ne, %rem3A_20, %ne3A_21 : i32
    %lt3A = arith.constant 0 : i32
    %lt3A_23 = arith.cmpi slt, %rem3A_20, %lt3A : i32
    %lt3A_24 = arith.constant 0 : i32
    %lt3A_25 = arith.cmpi slt, %select_n3A_19, %lt3A_24 : i32
    %ne3A_26 = arith.xori %lt3A_23, %lt3A_25 : i1
    %and3A_27 = arith.andi %ne3A_26, %ne3A_22 : i1
    %add3A = arith.addi %rem3A_20, %select_n3A_19 : i32
    %select_n3A_28 = arith.select %and3A_27, %add3A, %rem3A_20 : i32
    %c0_i32 = arith.constant 0 : i32
    %c0_i32_29 = arith.constant 0 : i32
    %c0_i32_30 = arith.constant 0 : i32
    return %select_n3A, %select_n3A_28, %c0_i32, %c0_i32_29 : i32, i32, i32, i32
  }
  func.func @transform_1(%arg0: i32) -> (i32, i32) {
    %c0_i32 = arith.constant 0 : i32
    %c0_i32_0 = arith.constant 0 : i32
    %c0_i32_1 = arith.constant 0 : i32
    return %c0_i32, %c0_i32_0 : i32, i32
  }
  func.func @transform_2(%arg0: i32) -> (i32, i32, i32) {
    %c0_i32 = arith.constant 0 : i32
    %c0_i32_0 = arith.constant 0 : i32
    %c0_i32_1 = arith.constant 0 : i32
    return %arg0, %c0_i32, %c0_i32_0 : i32, i32, i32
  }
  func.func @transform_3(%arg0: i32) -> (i32, i32) {
    %c0_i32 = arith.constant 0 : i32
    %c0_i32_0 = arith.constant 0 : i32
    %c0_i32_1 = arith.constant 0 : i32
    return %c0_i32, %c0_i32_0 : i32, i32
  }
}

module attributes {stable_mosaic.version = 14 : i64} {
  func.func @_xpose_kernel(%arg0: i32, %arg1: memref<1x1x128x256xf32, #tpu.memory_space<vmem>>, %arg2: memref<1x1x256x128xf32, #tpu.memory_space<vmem>>) attributes {dimension_semantics = [#tpu.dimension_semantics<arbitrary>], iteration_bounds = array<i64: 128>, scalar_prefetch = 0 : i64, scratch_operands = 0 : i64, tpu.core_type = #tpu.core_type<tc>, window_params = [{transform_indices = @transform_0, window_bounds = array<i64: 1, 1, 128, 256>}, {transform_indices = @transform_1, window_bounds = array<i64: 1, 1, 256, 128>}]} {
    %get3A = arith.constant 0 : index
    %get3A_0 = arith.constant 0 : index
    %get3A_1 = arith.constant 0 : index
    %get3A_2 = arith.constant 0 : index
    %get3A_3 = vector.load %arg1[%get3A, %get3A_0, %get3A_1, %get3A_2] : memref<1x1x128x256xf32, #tpu.memory_space<vmem>>, vector<1x1x128x256xf32>
    %get3A_4 = vector.shape_cast %get3A_3 : vector<1x1x128x256xf32> to vector<128x256xf32>
    %transpose3A = tpu.transpose %get3A_4, [1, 0] : vector<128x256xf32> -> vector<256x128xf32>
    %swap3A = arith.constant 0 : index
    %swap3A_5 = arith.constant 0 : index
    %swap3A_6 = arith.constant 0 : index
    %swap3A_7 = arith.constant 0 : index
    %swap3A_8 = vector.load %arg2[%swap3A, %swap3A_5, %swap3A_6, %swap3A_7] : memref<1x1x256x128xf32, #tpu.memory_space<vmem>>, vector<1x1x256x128xf32>
    %swap3A_9 = vector.shape_cast %swap3A_8 : vector<1x1x256x128xf32> to vector<256x128xf32>
    %swap3A_10 = vector.shape_cast %transpose3A : vector<256x128xf32> to vector<1x1x256x128xf32>
    tpu.vector_store %arg2[%swap3A, %swap3A_5, %swap3A_6, %swap3A_7], %swap3A_10 {strides = array<i32>} : memref<1x1x256x128xf32, #tpu.memory_space<vmem>>, vector<1x1x256x128xf32>,
    return
  }
  func.func @transform_0(%arg0: i32) -> (i32, i32, i32, i32) {
    %jit3A = arith.constant 16 : i32
    %div3A = arith.divsi %arg0, %jit3A : i32
    %sign3A = arith.constant 0 : i32
    %sign3A_0 = arith.cmpi sgt, %arg0, %sign3A : i32
    %sign3A_1 = arith.extui %sign3A_0 : i1 to i32
    %sign3A_2 = arith.constant 0 : i32
    %sign3A_3 = arith.cmpi slt, %arg0, %sign3A_2 : i32
    %sign3A_4 = arith.extui %sign3A_3 : i1 to i32
    %sign3A_5 = arith.subi %sign3A_1, %sign3A_4 : i32
    %sign3A_6 = arith.constant 0 : i32
    %sign3A_7 = arith.cmpi sgt, %jit3A, %sign3A_6 : i32
    %sign3A_8 = arith.extui %sign3A_7 : i1 to i32
    %sign3A_9 = arith.constant 0 : i32
    %sign3A_10 = arith.cmpi slt, %jit3A, %sign3A_9 : i32
    %sign3A_11 = arith.extui %sign3A_10 : i1 to i32
    %sign3A_12 = arith.subi %sign3A_8, %sign3A_11 : i32
    %ne3A = arith.cmpi ne, %sign3A_5, %sign3A_12 : i32
    %rem3A = arith.remsi %arg0, %jit3A : i32
    %ne3A_13 = arith.constant 0 : i32
    %ne3A_14 = arith.cmpi ne, %rem3A, %ne3A_13 : i32
    %and3A = arith.andi %ne3A, %ne3A_14 : i1
    %sub3A = arith.constant 1 : i32
    %sub3A_15 = arith.subi %div3A, %sub3A : i32
    %select_n3A = arith.select %and3A, %sub3A_15, %div3A : i32
    %jit3A_16 = arith.constant 16 : i32
    %eq3A = arith.constant 0 : i32
    %eq3A_17 = arith.cmpi eq, %jit3A_16, %eq3A : i32
    %jit3A_18 = arith.constant 1 : i32
    %select_n3A_19 = arith.select %eq3A_17, %jit3A_18, %jit3A_16 : i32
    %rem3A_20 = arith.remsi %arg0, %select_n3A_19 : i32
    %ne3A_21 = arith.constant 0 : i32
    %ne3A_22 = arith.cmpi ne, %rem3A_20, %ne3A_21 : i32
    %lt3A = arith.constant 0 : i32
    %lt3A_23 = arith.cmpi slt, %rem3A_20, %lt3A : i32
    %lt3A_24 = arith.constant 0 : i32
    %lt3A_25 = arith.cmpi slt, %select_n3A_19, %lt3A_24 : i32
    %ne3A_26 = arith.xori %lt3A_23, %lt3A_25 : i1
    %and3A_27 = arith.andi %ne3A_26, %ne3A_22 : i1
    %add3A = arith.addi %rem3A_20, %select_n3A_19 : i32
    %select_n3A_28 = arith.select %and3A_27, %add3A, %rem3A_20 : i32
    %c0_i32 = arith.constant 0 : i32
    %c0_i32_29 = arith.constant 0 : i32
    %c0_i32_30 = arith.constant 0 : i32
    return %select_n3A, %select_n3A_28, %c0_i32, %c0_i32_29 : i32, i32, i32, i32
  }
  func.func @transform_1(%arg0: i32) -> (i32, i32, i32, i32) {
    %jit3A = arith.constant 16 : i32
    %div3A = arith.divsi %arg0, %jit3A : i32
    %sign3A = arith.constant 0 : i32
    %sign3A_0 = arith.cmpi sgt, %arg0, %sign3A : i32
    %sign3A_1 = arith.extui %sign3A_0 : i1 to i32
    %sign3A_2 = arith.constant 0 : i32
    %sign3A_3 = arith.cmpi slt, %arg0, %sign3A_2 : i32
    %sign3A_4 = arith.extui %sign3A_3 : i1 to i32
    %sign3A_5 = arith.subi %sign3A_1, %sign3A_4 : i32
    %sign3A_6 = arith.constant 0 : i32
    %sign3A_7 = arith.cmpi sgt, %jit3A, %sign3A_6 : i32
    %sign3A_8 = arith.extui %sign3A_7 : i1 to i32
    %sign3A_9 = arith.constant 0 : i32
    %sign3A_10 = arith.cmpi slt, %jit3A, %sign3A_9 : i32
    %sign3A_11 = arith.extui %sign3A_10 : i1 to i32
    %sign3A_12 = arith.subi %sign3A_8, %sign3A_11 : i32
    %ne3A = arith.cmpi ne, %sign3A_5, %sign3A_12 : i32
    %rem3A = arith.remsi %arg0, %jit3A : i32
    %ne3A_13 = arith.constant 0 : i32
    %ne3A_14 = arith.cmpi ne, %rem3A, %ne3A_13 : i32
    %and3A = arith.andi %ne3A, %ne3A_14 : i1
    %sub3A = arith.constant 1 : i32
    %sub3A_15 = arith.subi %div3A, %sub3A : i32
    %select_n3A = arith.select %and3A, %sub3A_15, %div3A : i32
    %jit3A_16 = arith.constant 16 : i32
    %eq3A = arith.constant 0 : i32
    %eq3A_17 = arith.cmpi eq, %jit3A_16, %eq3A : i32
    %jit3A_18 = arith.constant 1 : i32
    %select_n3A_19 = arith.select %eq3A_17, %jit3A_18, %jit3A_16 : i32
    %rem3A_20 = arith.remsi %arg0, %select_n3A_19 : i32
    %ne3A_21 = arith.constant 0 : i32
    %ne3A_22 = arith.cmpi ne, %rem3A_20, %ne3A_21 : i32
    %lt3A = arith.constant 0 : i32
    %lt3A_23 = arith.cmpi slt, %rem3A_20, %lt3A : i32
    %lt3A_24 = arith.constant 0 : i32
    %lt3A_25 = arith.cmpi slt, %select_n3A_19, %lt3A_24 : i32
    %ne3A_26 = arith.xori %lt3A_23, %lt3A_25 : i1
    %and3A_27 = arith.andi %ne3A_26, %ne3A_22 : i1
    %add3A = arith.addi %rem3A_20, %select_n3A_19 : i32
    %select_n3A_28 = arith.select %and3A_27, %add3A, %rem3A_20 : i32
    %c0_i32 = arith.constant 0 : i32
    %c0_i32_29 = arith.constant 0 : i32
    %c0_i32_30 = arith.constant 0 : i32
    return %select_n3A, %select_n3A_28, %c0_i32, %c0_i32_29 : i32, i32, i32, i32
  }
}

</mosaic_0001>

<sc_bundles>
// kernel: kernel.5.cloned.1.call-start
scs
__scs_entry_jumppad:
0x0: {  	(pc) =	sbr.rel $0x88, $3  }
0x1: {  	(tag) =	ssettag $0x0;
	lr =	simm.s32 $0x1  }
0x2: {  	[smem:$0x3F9F] =	sst lr;
	_ =	strace $0xD0000000  }
0x3: {  	_ = 	snop  }
0x4: {  	_ = 	snop  }
0x5: {  	_ = 	snop  }
0x6: {  	_ = 	snop  }
0x7: {  	_ = 	snop  }
__scs_overlays_trampoline_lowered:
0x8: {  	[smem:$0x3FAE] =	sst s0  }
0x9: {  	[smem:$0x3FAF] =	sst s1  }
0xa: {  	[smem:$0x3FB0] =	sst s2  }
0xb: {  	[smem:$0x3FB1] =	sst s3  }
0xc: {  	[smem:$0x3FB2] =	sst s4  }
0xd: {  	[smem:$0x3FB3] =	sst s5  }
0xe: {  	[smem:$0x3FB4] =	sst s6  }
0xf: {  	[smem:$0x3FB5] =	sst s7  }
0x10: {  	[smem:$0x3FB6] =	sst s8  }
0x11: {  	[smem:$0x3FB7] =	sst s9;
	s0 =	simm.s32 @!p0 $0x0  }
0x12: {  	s1 =	sld [smem:$0x3F9D];
	s0 =	simm.s32 @p0 $0x1  }
0x13: {  	[smem:$0x3FB8] =	sst s0;
	s0 =	simm.s32 @!p1 $0x0  }
0x14: {  	s2 =	sld [smem:$0x3F9C];
	s0 =	simm.s32 @p1 $0x1  }
0x15: {  	[smem:$0x3FB9] =	sst s0;
	s0 =	simm.s32 @!p2 $0x0  }
0x16: {  	s3 =	sld [smem:$0x3FDB];
	s0 =	simm.s32 @p2 $0x1  }
0x17: {  	s4 =	simm.s32 $0x1BF5;
	[smem:$0x3FBB] =	sst s0  }
0x18: {  	s0 =	sld [smem:$0x3F9E];
	_ =	swait.ge [sflag:s4], $0x0  }
0x19: {  	s7 =	sld [smem:$0x3F9F]  }
0x1a: {  	s8 =	sadd.s32 $0xFFFFE003, lr  }
0x1b: {  	s9 =	sadd.s32 $0xFFFFFEF7, lr;
	s5 =	simm.s32 $0xFFFFFFFF;
	p2 =	slt.u32 s8, $0xFFFFF086  }
0x1c: {  	p1 =	slt.u32 s9, $0xF7A;
	s5 =	simm.s32 @!p2 $0x0  }
0x1d: {  	s5 =	simm.s32 @p1 $0x1;
	p0 =	seq.s32 s7, s2  }
0x1e: {  	s7 =	smul.u32 @!p0 $0xF7A, s2;
	p2 =	seq.s32 @!p0 s5, $0x0  }
0x1f: {  	s9 =	smul.u32 $0xF7A, s1;
	s8 =	simm.s32 @!p0 $0x1BF5;
	p2 =	por !p2, p0  }
0x20: {  	[sflag:s8] =	ssyncset.s32 @!p0 $0xFFFFF086;
	s6 =	sadd.s32 @!p0 s3, s7;
	s7 =	simm.s32 @!p0 $0x108  }
0x21: {  	s3 =	sadd.s32 s3, s9;
	s6 =	sadd.s32 @!p0 $0x88, s6;
	s7 =	simm.s32 @p2 $0x1082  }
0x22: {  	[simem:s7], [sflag:s8] =	dma.local @!p0 [hbm:s6], $0xF7A  }
0x23: {  	s9 =	sor.u32 $0xD0000000, s2;
	s6 =	simm.s32 $0x108;
	_ =	swait.ge @!p0 [sflag:s8], $0x0  }
0x24: {  	s3 =	sadd.s32 $0x88, s3;
	s6 =	simm.s32 @!p1 $0x1082;
	[sflag:s4] =	ssyncset.s32 $0xFFFFF086  }
0x25: {  	[simem:s6], [sflag:s4] =	dma.local [hbm:s3], $0xF7A  }
0x26: {  	[smem:$0x3F9F] =	sst s1;
	(tag) =	ssettag s2;
	_ =	strace s9  }
0x27: {  	s1 =	sld [smem:$0x3FAF]  }
0x28: {  	s2 =	sld [smem:$0x3FB0]  }
0x29: {  	s4 =	sld [smem:$0x3FB2]  }
0x2a: {  	p0 =	seq.s32 s5, $0x0;
	s5 =	sld [smem:$0x3FB3]  }
0x2b: {  	s6 =	sld [smem:$0x3FB4]  }
0x2c: {  	s7 =	sld [smem:$0x3FB5]  }
0x2d: {  	s3 =	simm.s32 $0x108;
	s8 =	sld [smem:$0x3FB6]  }
0x2e: {  	s3 =	simm.s32 @!p0 $0x1082;
	s9 =	sld [smem:$0x3FB7]  }
0x2f: {  	lr =	sadd.s32 s0, s3;
	s0 =	sld [smem:$0x3FAE]  }
0x30: {  	s3 =	sld [smem:$0x3FB1]  }
0x31: {  	[smem:$0x3FBA] =	sst s10  }
0x32: {  	s10 =	sld [smem:$0x3FB8];
	_ =	sdelay $0x3  }
0x33: {  	p0 =	seq.s32 s10, $0x1;
	s10 =	sld [smem:$0x3FBA];
	_ =	sdelay $0x3  }
0x34: {  	[smem:$0x3FBA] =	sst s10  }
0x35: {  	s10 =	sld [smem:$0x3FB9];
	_ =	sdelay $0x3  }
0x36: {  	p1 =	seq.s32 s10, $0x1;
	s10 =	sld [smem:$0x3FBA];
	_ =	sdelay $0x3  }
0x37: {  	[smem:$0x3FBA] =	sst s10  }
0x38: {  	s10 =	sld [smem:$0x3FBB]  }
0x39: {  	_ = 	snop;
	(pc) =	sbr.ind lr, $3  }
0x3a: {  	_ = 	snop  }
0x3b: {  	_ = 	snop  }
0x3c: {  	p2 =	seq.s32 s10, $0x1;
	s10 =	sld [smem:$0x3FBA]  }
0x3d: {  	_ =	shalt  }
0x3e: {  	_ =	shalt  }
0x3f: {  	_ =	shalt  }
0x40: {  	_ =	shalt  }
0x41: {  	_ =	shalt  }
0x42: {  	_ =	shalt  }
0x43: {  	_ =	shalt  }
0x44: {  	_ =	shalt  }
0x45: {  	_ =	shalt  }
0x46: {  	_ =	shalt  }
0x47: {  	_ =	shalt  }
0x48: {  	_ =	shalt  }
0x49: {  	_ =	shalt  }
0x4a: {  	_ =	shalt  }
0x4b: {  	_ =	shalt  }
0x4c: {  	_ =	shalt  }
0x4d: {  	_ =	shalt  }
0x4e: {  	_ =	shalt  }
0x4f: {  	_ =	shalt  }
0x50: {  	_ =	shalt  }
0x51: {  	_ =	shalt  }
0x52: {  	_ =	shalt  }
0x53: {  	_ =	shalt  }
0x54: {  	_ =	shalt  }
0x55: {  	_ =	shalt  }
0x56: {  	_ =	shalt  }
0x57: {  	_ =	shalt  }
0x58: {  	_ =	shalt  }
0x59: {  	_ =	shalt  }
0x5a: {  	_ =	shalt  }
0x5b: {  	_ =	shalt  }
0x5c: {  	_ =	shalt  }
0x5d: {  	_ =	shalt  }
0x5e: {  	_ =	shalt  }
0x5f: {  	_ =	shalt  }
0x60: {  	_ =	shalt  }
0x61: {  	_ =	shalt  }
0x62: {  	_ =	shalt  }
0x63: {  	_ =	shalt  }
0x64: {  	_ =	shalt  }
0x65: {  	_ =	shalt  }
0x66: {  	_ =	shalt  }
0x67: {  	_ =	shalt  }
0x68: {  	_ =	shalt  }
0x69: {  	_ =	shalt  }
0x6a: {  	_ =	shalt  }
0x6b: {  	_ =	shalt  }
0x6c: {  	_ =	shalt  }
0x6d: {  	_ =	shalt  }
0x6e: {  	_ =	shalt  }
0x6f: {  	_ =	shalt  }
0x70: {  	_ =	shalt  }
0x71: {  	_ =	shalt  }
0x72: {  	_ =	shalt  }
0x73: {  	_ =	shalt  }
0x74: {  	_ =	shalt  }
0x75: {  	_ =	shalt  }
0x76: {  	_ =	shalt  }
0x77: {  	_ =	shalt  }
0x78: {  	_ =	shalt  }
0x79: {  	_ =	shalt  }
0x7a: {  	_ =	shalt  }
0x7b: {  	_ =	shalt  }
0x7c: {  	_ =	shalt  }
0x7d: {  	_ =	shalt  }
0x7e: {  	_ =	shalt  }
0x7f: {  	_ =	shalt  }
0x80: {  	_ =	shalt  }
0x81: {  	_ =	shalt  }
0x82: {  	_ =	shalt  }
0x83: {  	_ =	shalt  }
0x84: {  	_ =	shalt  }
0x85: {  	_ =	shalt  }
0x86: {  	_ =	shalt  }
0x87: {  	_ =	shalt  }
.Lfunc_end0:
.L_simem_size_0:
called_computation_lowered:
.L_overlay_start_0:
0x88: {  	s2 =	sld [smem:$0x3FD9]  }
0x89: {  	s3 =	sld [smem:$0x3FFE];
	_ =	sdelay $0x1  }
0x8a: {  	s1 =	srdreg.scid  }
0x8b: {  	s0 =	sand.u32 $0x1, s1  }
0x8c: {  	s15 =	sshll.u32 s0, $0xA;
	s2 =	sadd.s32 s3, s2  }
0x8d: {  	s2 =	sadd.s32 s2, s15  }
0x8e: {  	[smem:$0x3FC6] =	sst s2  }
0x8f: {  	_ = 	snop  }
0x90: {  	s2 =	sld [smem:$0x3FD0];
	_ =	sdelay $0x2  }
0x91: {  	s4 =	simm.s32 $0xA;
	s5 =	simm.s32 $0x10;
	s16 =	sld [smem:$0x3FC8]  }
0x92: {  	[smem:s5], [sflag:s4] =	dma.local [hbm:s2], $0x1  }
0x93: {  	_ =	swait.eq [sflag:s4], $0x1  }
0x94: {  	[sflag:s4] =	ssyncset.done $0x0  }
0x95: {  	s17 =	sld [smem:$0x10];
	[sflag:s4] =	ssyncadd.s32 $0xFFFFFFFF  }
0x96: {  	s18 =	sld [smem:$0x12];
	(tm) =	ssettm $0x1  }
0x97: {  	s19 =	sld [smem:$0x3FFB];
	_ =	sdelay $0x3  }
0x98: {  	_ =	strace s19  }
0x99: {  	s5 =	sld [smem:$0x3FFC];
	_ =	sdelay $0x3  }
0x9a: {  	_ =	strace s5  }
0x9b: {  	s5 =	sld [smem:$0x3FFD];
	_ =	sdelay $0x3  }
0x9c: {  	_ =	strace s5  }
0x9d: {  	_ =	strace $0x8FFFFFFF  }
0x9e: {  	s20 =	sld [smem:$0x3FDB];
	_ =	sdelay $0x1  }
0x9f: {  	s6 =	simm.s32 $_scs_section_size  }
0xa0: {  	s7 =	simm.s32 $_size__tile_overlayer_lowered;
	s8 =	simm.s32 $_tile_overlayer_lowered  }
0xa1: {  	s23 =	simm.s32 $0x1BFF;
	s22 =	sshll.u32 s8, $0x1;
	s5 =	sadd.s32 s6, s20  }
0xa2: {  	s9 =	simm.s32 $0x0;
	s21 =	sshll.u32 s7, $0x1;
	s7 =	sadd.s32 s22, s5  }
0xa3: {  	[timem:s9], [sflag:s23] =	dma.local [hbm:s7], s21  }
0xa4: {  	_ =	swait.ge [sflag:s23], s21  }
0xa5: {  	s6 =	ssub.s32 $0x0, s21;
	[sflag:s23] =	ssyncset.done $0x0  }
0xa6: {  	[sflag:s23] =	ssyncadd.s32 s6;
	_ =	sdelay $0x1  }
0xa7: {  	s24 =	simm.s32 $0x1B8B  }
0xa8: {  	_ =	swait.ge [sflag:s24], $0x1  }
0xa9: {  	[sflag:s24] =	ssyncset.done $0x0  }
0xaa: {  	s25 =	simm.s32 $0x1B8E;
	[sflag:s24] =	ssyncadd.s32 $0xFFFFFFFF  }
0xab: {  	s26 =	simm.s32 $execute0_lowered;
	[smem:$0x3FD2] =	sst s25  }
0xac: {  	s6 =	sshll.u32 s26, $0x1;
	_ =	strace $0x80000046;
	[dreg:$0x1] =	wrdreg $0xFFFFFFFF  }
0xad: {  	s28 =	simm.s32 $_size_execute0_lowered;
	s5 =	sadd.s32 s5, s6;
	[dreg:$0x0] =	wrdreg $0x0  }
0xae: {  	s6 =	sshll.u32 s28, $0x1;
	[dreg:$0x2] =	wrdreg s5  }
0xaf: {  	[dreg:$0x3] =	wrdreg s6  }
0xb0: {  	[dreg:$0x4] =	wrdreg $0xC0  }
0xb1: {  	_ =	task [dreg:s9], $0x5FFFF  }
0xb2: {  	[dreg:$0x1] =	wrdreg $0xFFFFFFFF  }
0xb3: {  	[dreg:$0x0] =	wrdreg $0x60  }
0xb4: {  	[dreg:$0x2] =	wrdreg s16  }
0xb5: {  	[dreg:$0x3] =	wrdreg s18  }
0xb6: {  	[dreg:$0x4] =	wrdreg s17  }
0xb7: {  	[dreg:$0x5] =	wrdreg $0x9  }
0xb8: {  	_ =	task.clear_ibuf [dreg:s9], $0x6FFFF;
	_ =	strace $0x90000046  }
0xb9: {  	s29 =	simm.s32 $0x9;
	_ =	strace $0x80000048  }
0xba: {  	_ =	swait.ge [sflag:s29], $0x1  }
0xbb: {  	[sflag:s29] =	ssyncadd.s32 $0xFFFFFFFF  }
0xbc: {  	_ =	strace $0x90000048  }
0xbd: {  	_ =	sfence  }
0xbe: {  	s30 =	sld [smem:$0x0];
	_ =	sdelay $0x2  }
0xbf: {  	s31 =	sshll.u32 s1, $0xD;
	s1 =	sshrl.u32 s1, $0x2  }
0xc0: {  	s3 =	sand.u32 $0x4000, s31;
	s1 =	sadd.s32 s1, s30  }
0xc1: {  	s0 =	sor.u32 s3, s0;
	s1 =	sshll.u32 s1, $0x11  }
0xc2: {  	s0 =	sor.u32 s1, s0  }
0xc3: {  	s0 =	sadd.s32 $0x8F2B, s0  }
0xc4: {  	[sflag:s0] =	ssyncadd.remote.s32 $0x1  }
0xc5: {  	_ =	sfence.sel $0xFFFF  }
0xc6: {  	[dreg:$0x0] =	wrdreg $0xFFFFFFFF;
	(pc) =	sbr.abs _section_cstart, $3  }
0xc7: {  	[dreg:$0x1] =	wrdreg $0xFFFFFFFF  }
0xc8: {  	_ =	task.clear_ibuf [dreg:s9], $0x2FFFF;
	_ =	strace $0x9FFFFFFF  }
0xc9: {  	(tm) =	ssettm $0x7FFFFFFF  }
tec
execute0_lowered:
.L_overlay_start_1:
0x0: {  	(tag) =	ssettag $0x1  }
0x1: {  	s1 =	rddreg [dreg:$0x0]  }
0x2: {  	s6 =	rddreg [dreg:$0x1]  }
0x3: {  	s5 =	rddreg [dreg:$0x2]  }
0x4: {  	s3 =	srdreg.scid;
	s0 =	rddreg [dreg:$0x3];
	s2 =	simm.s32 $0x0  }
0x5: {  	s11 =	simm.s32 $0x1880;
	s12 =	simm.s32 $0x2080;
	s13 =	simm.s32 $0x2880  }
0x6: {  	s14 =	simm.s32 $0x3080;
	s15 =	simm.s32 $0x3880;
	s16 =	simm.s32 $0x4080  }
0x7: {  	s17 =	simm.s32 $0x4880;
	s18 =	simm.s32 $0x5080;
	s19 =	simm.s32 $0x5880  }
0x8: {  	s20 =	simm.s32 $0x6080;
	s21 =	simm.s32 $0x6880;
	s22 =	simm.s32 $0x7080  }
0x9: {  	s23 =	simm.s32 $0x7880;
	s24 =	simm.s32 $0x1;
	s25 =	simm.s32 $0x0  }
0xa: {  	s7 =	sand.u32 $0x1, s3;
	[smem:$0x7FF] =	sst s2;
	s3 =	stileid.u32  }
0xb: {  	s4 =	ssub.s32 $0x2, s7;
	_ =	strace $0x80000047;
	s31 =	sshll.u32 s3, $0xA  }
0xc: {  	s9 =	sshll.u32 s7, $0x9;
	s10 =	sshll.u32 s3, $0xF;
	s7 =	sshll.u32 s7, $0xE  }
0xd: {  	s8 =	sshrl.u32 s4, $0x1;
	s5 =	sadd.s32 s10, s5;
	s10 =	simm.s32 $0x1080  }
0xe: {  	v2 =	vlaneseq.u32;
	s4 =	ssub.s32 s4, s8;
	s8 =	sor.u32 s9, s31;
	s5 =	sadd.s32 s7, s5  }
0xf: {  	vm0 =	vmmov $0xffff;
	v1 =	vshrl.u32 v2, $0x3;
	s7 =	simm.s32 $0x2;
	s9 =	simm.s32 $0x880;
	s8 =	sshrl.u32 s8, $0x3  }
0x10: {  	v0 =	vand.u32 $0x7, v2;
	v2 =	vor.u32 $0x8, v2;
	v1 =	vmul.u32 $0x8, v1;
	s4 =	smax.u32 s4, $0x1;
	s6 =	sadd.s32 s8, s6;
	s8 =	simm.s32 $0x80  }
.LBB2_1:
0x11: {  	s26 =	smov.u32 s5;
	s28 =	simm.s32 $0x0  }
.LBB2_2:
0x12: {  	s29 =	sadd.s32 s28, s6  }
0x13: {  	[tilespmem:s2], [sflag:$0x2] =	stream.linear.gather [hbm4b:s29+s2], $0x80, $0x38;
	[tilespmem:$0x8080] =	vst v63  }
0x14: {  	_ =	swait.ge [sflag:s7], $0x80  }
0x15: {  	[sflag:s7] =	ssyncset.done $0x0  }
0x16: {  	[sflag:s7] =	ssyncadd.s32 $0xFFFFFF80  }
0x17: {  	v3 =	vld [tilespmem:$0x0];
	_ =	sdelay $0x4  }
0x18: {  	v4 =	vshll.u32 v3, $0x1  }
0x19: {  	v3 =	vand.u32 $0x7, v3;
	v4 =	vand.u32 $0xFFFFFFF0, v4  }
0x1a: {  	v3 =	vor.u32 v3, v4  }
0x1b: {  	v4 =	vperm.xlane v3, v0;
	_ =	sdelay $0x1  }
0x1c: {  	v3 =	vperm.xlane v3, v2;
	v4 =	vadd.s32 v1, v4;
	_ =	sdelay $0x1  }
0x1d: {  	v3 =	vadd.s32 v1, v3;
	_ =	sdelay $0x2  }
0x1e: {  	[tilespmem:s8], [sflag:$0x1] =	stream.indirect_vreg.gather [hbm4b:s1+s2], $0x80, v4, vm0, $0xb8;
	[tilespmem:$0x8080] =	vst v63  }
0x1f: {  	_ = 	snop  }
0x20: {  	[tilespmem:s9], [sflag:$0x1] =	stream.indirect_vreg.gather [hbm4b:s1+s2], $0x80, v3, vm0, $0xb8;
	[tilespmem:$0x8080] =	vst v63  }
0x21: {  	v3 =	vld [tilespmem:$0x10];
	_ =	sdelay $0x4  }
0x22: {  	v57 =	vshll.u32 v3, $0x1  }
0x23: {  	v3 =	vand.u32 $0x7, v3;
	v4 =	vand.u32 $0xFFFFFFF0, v57  }
0x24: {  	v3 =	vor.u32 v3, v4  }
0x25: {  	v4 =	vperm.xlane v3, v0;
	_ =	sdelay $0x1  }
0x26: {  	v3 =	vperm.xlane v3, v2;
	v4 =	vadd.s32 v1, v4;
	_ =	sdelay $0x1  }
0x27: {  	v3 =	vadd.s32 v1, v3;
	_ =	sdelay $0x2  }
0x28: {  	[tilespmem:s10], [sflag:$0x1] =	stream.indirect_vreg.gather [hbm4b:s1+s2], $0x80, v4, vm0, $0xb8;
	[tilespmem:$0x8080] =	vst v63  }
0x29: {  	_ = 	snop  }
0x2a: {  	[tilespmem:s11], [sflag:$0x1] =	stream.indirect_vreg.gather [hbm4b:s1+s2], $0x80, v3, vm0, $0xb8;
	[tilespmem:$0x8080] =	vst v63  }
0x2b: {  	v3 =	vld [tilespmem:$0x20];
	_ =	sdelay $0x4  }
0x2c: {  	v58 =	vshll.u32 v3, $0x1  }
0x2d: {  	v3 =	vand.u32 $0x7, v3;
	v4 =	vand.u32 $0xFFFFFFF0, v58  }
0x2e: {  	v3 =	vor.u32 v3, v4  }
0x2f: {  	v4 =	vperm.xlane v3, v0;
	_ =	sdelay $0x1  }
0x30: {  	v3 =	vperm.xlane v3, v2;
	v4 =	vadd.s32 v1, v4;
	_ =	sdelay $0x1  }
0x31: {  	v3 =	vadd.s32 v1, v3;
	_ =	sdelay $0x2  }
0x32: {  	[tilespmem:s12], [sflag:$0x1] =	stream.indirect_vreg.gather [hbm4b:s1+s2], $0x80, v4, vm0, $0xb8;
	[tilespmem:$0x8080] =	vst v63  }
0x33: {  	_ = 	snop  }
0x34: {  	[tilespmem:s13], [sflag:$0x1] =	stream.indirect_vreg.gather [hbm4b:s1+s2], $0x80, v3, vm0, $0xb8;
	[tilespmem:$0x8080] =	vst v63  }
0x35: {  	v3 =	vld [tilespmem:$0x30];
	_ =	sdelay $0x4  }
0x36: {  	v59 =	vshll.u32 v3, $0x1  }
0x37: {  	v3 =	vand.u32 $0x7, v3;
	v4 =	vand.u32 $0xFFFFFFF0, v59  }
0x38: {  	v3 =	vor.u32 v3, v4  }
0x39: {  	v4 =	vperm.xlane v3, v0;
	_ =	sdelay $0x1  }
0x3a: {  	v3 =	vperm.xlane v3, v2;
	v4 =	vadd.s32 v1, v4;
	_ =	sdelay $0x1  }
0x3b: {  	v3 =	vadd.s32 v1, v3;
	_ =	sdelay $0x2  }
0x3c: {  	[tilespmem:s14], [sflag:$0x1] =	stream.indirect_vreg.gather [hbm4b:s1+s2], $0x80, v4, vm0, $0xb8;
	[tilespmem:$0x8080] =	vst v63  }
0x3d: {  	_ = 	snop  }
0x3e: {  	[tilespmem:s15], [sflag:$0x1] =	stream.indirect_vreg.gather [hbm4b:s1+s2], $0x80, v3, vm0, $0xb8;
	[tilespmem:$0x8080] =	vst v63  }
0x3f: {  	v3 =	vld [tilespmem:$0x40];
	_ =	sdelay $0x4  }
0x40: {  	v60 =	vshll.u32 v3, $0x1  }
0x41: {  	v3 =	vand.u32 $0x7, v3;
	v4 =	vand.u32 $0xFFFFFFF0, v60  }
0x42: {  	v3 =	vor.u32 v3, v4  }
0x43: {  	v4 =	vperm.xlane v3, v0;
	_ =	sdelay $0x1  }
0x44: {  	v3 =	vperm.xlane v3, v2;
	v4 =	vadd.s32 v1, v4;
	_ =	sdelay $0x1  }
0x45: {  	v3 =	vadd.s32 v1, v3;
	_ =	sdelay $0x2  }
0x46: {  	[tilespmem:s16], [sflag:$0x1] =	stream.indirect_vreg.gather [hbm4b:s1+s2], $0x80, v4, vm0, $0xb8;
	[tilespmem:$0x8080] =	vst v63  }
0x47: {  	_ = 	snop  }
0x48: {  	[tilespmem:s17], [sflag:$0x1] =	stream.indirect_vreg.gather [hbm4b:s1+s2], $0x80, v3, vm0, $0xb8;
	[tilespmem:$0x8080] =	vst v63  }
0x49: {  	v3 =	vld [tilespmem:$0x50];
	_ =	sdelay $0x4  }
0x4a: {  	v61 =	vshll.u32 v3, $0x1  }
0x4b: {  	v3 =	vand.u32 $0x7, v3;
	v4 =	vand.u32 $0xFFFFFFF0, v61  }
0x4c: {  	v3 =	vor.u32 v3, v4  }
0x4d: {  	v4 =	vperm.xlane v3, v0;
	_ =	sdelay $0x1  }
0x4e: {  	v3 =	vperm.xlane v3, v2;
	v4 =	vadd.s32 v1, v4;
	_ =	sdelay $0x1  }
0x4f: {  	v3 =	vadd.s32 v1, v3;
	_ =	sdelay $0x2  }
0x50: {  	[tilespmem:s18], [sflag:$0x1] =	stream.indirect_vreg.gather [hbm4b:s1+s2], $0x80, v4, vm0, $0xb8;
	[tilespmem:$0x8080] =	vst v63  }
0x51: {  	_ = 	snop  }
0x52: {  	[tilespmem:s19], [sflag:$0x1] =	stream.indirect_vreg.gather [hbm4b:s1+s2], $0x80, v3, vm0, $0xb8;
	[tilespmem:$0x8080] =	vst v63  }
0x53: {  	v3 =	vld [tilespmem:$0x60];
	_ =	sdelay $0x4  }
0x54: {  	v62 =	vshll.u32 v3, $0x1  }
0x55: {  	v3 =	vand.u32 $0x7, v3;
	v4 =	vand.u32 $0xFFFFFFF0, v62  }
0x56: {  	v3 =	vor.u32 v3, v4  }
0x57: {  	v4 =	vperm.xlane v3, v0;
	_ =	sdelay $0x1  }
0x58: {  	v3 =	vperm.xlane v3, v2;
	v4 =	vadd.s32 v1, v4;
	_ =	sdelay $0x1  }
0x59: {  	v3 =	vadd.s32 v1, v3;
	_ =	sdelay $0x2  }
0x5a: {  	[tilespmem:s20], [sflag:$0x1] =	stream.indirect_vreg.gather [hbm4b:s1+s2], $0x80, v4, vm0, $0xb8;
	[tilespmem:$0x8080] =	vst v63  }
0x5b: {  	_ = 	snop  }
0x5c: {  	[tilespmem:s21], [sflag:$0x1] =	stream.indirect_vreg.gather [hbm4b:s1+s2], $0x80, v3, vm0, $0xb8;
	[tilespmem:$0x8080] =	vst v63  }
0x5d: {  	v3 =	vld [tilespmem:$0x70];
	_ =	sdelay $0x4  }
0x5e: {  	v63 =	vshll.u32 v3, $0x1  }
0x5f: {  	v3 =	vand.u32 $0x7, v3;
	v4 =	vand.u32 $0xFFFFFFF0, v63  }
0x60: {  	v3 =	vor.u32 v3, v4  }
0x61: {  	v4 =	vperm.xlane v3, v0;
	_ =	sdelay $0x1  }
0x62: {  	v3 =	vperm.xlane v3, v2;
	v4 =	vadd.s32 v1, v4;
	_ =	sdelay $0x1  }
0x63: {  	v3 =	vadd.s32 v1, v3;
	_ =	sdelay $0x2  }
0x64: {  	[tilespmem:s22], [sflag:$0x1] =	stream.indirect_vreg.gather [hbm4b:s1+s2], $0x80, v4, vm0, $0xb8;
	[tilespmem:$0x8080] =	vst v63  }
0x65: {  	_ = 	snop  }
0x66: {  	[tilespmem:s23], [sflag:$0x1] =	stream.indirect_vreg.gather [hbm4b:s1+s2], $0x80, v3, vm0, $0xb8;
	[tilespmem:$0x8080] =	vst v63  }
0x67: {  	_ =	swait.ge [sflag:s24], $0x8000  }
0x68: {  	p0 =	sne.s32 s28, $0x30;
	[sflag:s24] =	ssyncset.done $0x0  }
.Ltmp0:
0x69: {  	[sflag:s24] =	ssyncadd.s32 $0xFFFF8000;
	(pc) =	sbr.rel @p0 .LBB2_2-.Ltmp0, $4  }
0x6a: {  	[hbm4b:s26+s2] =	stream.linear.scatter [tilespmem:s8], [sflag:$0x2], $0x8000, $0x38;
	[tilespmem:$0x8080] =	vst v63  }
0x6b: {  	_ =	swait.ge [sflag:s7], $0x8000  }
0x6c: {  	[sflag:s7] =	ssyncset.done $0x0  }
0x6d: {  	s28 =	sadd.s32 $0x10, s28;
	s26 =	sadd.s32 $0x1000, s26;
	[sflag:s7] =	ssyncadd.s32 $0xFFFF8000  }
0x6e: {  	s25 =	sadd.s32 $0x1, s25  }
0x6f: {  	p0 =	sne.s32 s25, s4  }
.Ltmp1:
0x70: {  	_ = 	snop;
	(pc) =	sbr.rel @p0 .LBB2_1-.Ltmp1, $1  }
0x71: {  	_ =	sdelay $0x3  }
0x72: {  	_ =	sfence.sel $0x180000  }
0x73: {  	[bflag:$0x0] =	sbarrier.arrive $0xFFFF  }
0x74: {  	p0 =	sne.s32 s3, $0x0;
	_ =	strace $0x90000047  }
0x75: {  	s0 =	sadd.s32 @!p0 $0x100000, s0;
	[bflag:$0x2] =	sbarrier.arrive $0xFFFF  }
0x76: {  	[sflag:s0] =	ssyncadd.tile.s32 @!p0 $0x1;
	_ =	shalt  }
.Lfunc_end2:
_tile_overlayer_lowered:
.L_overlay_start_2:
0x77: {  	(tag) =	ssettag $0x2  }
0x78: {  	s0 =	rddreg [dreg:$0x0];
	s2 =	stileid.u32  }
0x79: {  	s1 =	rddreg [dreg:$0x1];
	p0 =	sne.s32 s2, $0x0  }
0x7a: {  	s3 =	rddreg [dreg:$0x2];
	[bflag:$0x3] =	sbarrier.arrive $0xFFFF;
	s2 =	simm.s32 @!p0 $0x1C02  }
0x7b: {  	[timem:s3], [sflag:s2] =	dma.local @!p0 [hbm:s0], s1  }
0x7c: {  	s0 =	simm.s32 @!p0 $0x2  }
0x7d: {  	_ =	swait.ge @!p0 [sflag:s0], s1  }
0x7e: {  	s1 =	ssub.s32 @!p0 $0x0, s1;
	[sflag:s0] =	ssyncset.done @!p0 $0x0  }
0x7f: {  	[sflag:s0] =	ssyncadd.s32 @!p0 s1  }
0x80: {  	[bflag:$0x3] =	sbarrier.arrive $0xFFFF  }
0x81: {  	_ =	shalt  }

</sc_bundles>
